<compile_context>
chip_gen: v7x
topology: tpu7x:2x2x1
jax: 0.10.2.dev20260603
libtpu: 0.0.44.dev20260713+nightly
codegen_flags: <defaults>
</compile_context>

<pallas_src>
import jax
import jax.numpy as jnp
from jax import lax
from jax.experimental import pallas as pl
from jax.experimental.pallas import tpu as pltpu
from jax.experimental.pallas import tpu_sc as plsc

_PRESENCE = 1.0
_FREQUENCY = 0.5
_DECAY = 0.1
_V = 100000
_SEQ = 128
_T = 16384
_NS = 16
_C = 6272
_LASTBASE = _V - _C
_TPT = _T // _NS
_ROWS = _TPT // 128
_NEG = -3.0e38
_IMAX = 2**31 - 1


def _body(rows_hbm, tok_hbm, cnt_hbm, out_row, out_cnt, out_tok,
          stg_m, stg_i, acc, lrow, tok_v, cnt_v, pen_v,
          mbuf, ibuf, lm, li, ncnt_v, sem_row, sem_io, sem_s):
    wid = lax.axis_index("s")
    base = pl.multiple_of(jnp.minimum(wid * _C, _LASTBASE), 32)
    trow = wid * _ROWS
    lanes = lax.broadcasted_iota(jnp.int32, (16,), 0)

    cp_row = pltpu.async_copy(rows_hbm.at[pl.ds(base, _C)], lrow, sem_row)
    cp_tok = pltpu.async_copy(tok_hbm.at[pl.ds(trow, _ROWS)], tok_v, sem_io)
    cp_cnt = pltpu.async_copy(cnt_hbm.at[pl.ds(trow, _ROWS)], cnt_v, sem_io)
    cp_tok.wait()
    cp_cnt.wait()

    for j in range(_ROWS):
        def pbody(k, _, j=j):
            c = cnt_v[j, pl.ds(k * 16, 16)]
            pen_v[j, pl.ds(k * 16, 16)] = -_PRESENCE - _FREQUENCY * c
            return 0
        lax.fori_loop(0, 128 // 16, pbody, 0)

    cp_row.wait()
    pltpu.sync_copy(lrow, acc.at[pl.ds(base, _C)])
    plsc.subcore_barrier()

    scats = [pltpu.async_copy(pen_v.at[j], acc.at[tok_v.at[j]], sem_s,
                              add=True) for j in range(_ROWS)]
    for cp in scats:
        cp.wait()

    plsc.subcore_barrier()

    pltpu.sync_copy(acc.at[pl.ds(base, _C)], lrow)

    def am_body(i, carry):
        m, mi = carry
        v = lrow[pl.ds(i * 16, 16)]
        upd = v > m
        return jnp.where(upd, v, m), jnp.where(upd, i, mi)

    m0 = jnp.full((16,), _NEG, jnp.float32)
    i0 = jnp.zeros((16,), jnp.int32)
    m, mi = lax.fori_loop(0, _C // 16, am_body, (m0, i0))

    pos = mi * 16 + lanes + base
    bm = jnp.max(m)
    bp = jnp.min(jnp.where(m == bm, pos, _IMAX))

    cp_out = pltpu.async_copy(lrow, out_row.at[pl.ds(base, _C)], sem_row)

    mbuf[...] = jnp.where(lanes == wid, bm, _NEG)
    ibuf[...] = jnp.where(lanes == wid, bp, _IMAX)
    pltpu.sync_copy(mbuf, stg_m.at[wid])
    pltpu.sync_copy(ibuf, stg_i.at[wid])
    plsc.subcore_barrier()
    pltpu.sync_copy(stg_m, lm)
    pltpu.sync_copy(stg_i, li)

    macc = lm[0]
    pacc = li[0]
    for j in range(1, _NS):
        macc = jnp.maximum(macc, lm[j])
        pacc = jnp.minimum(pacc, li[j])
    gbest = jnp.max(macc)
    gpos = jnp.min(jnp.where(macc == gbest, pacc, _IMAX))

    for j in range(_ROWS):
        def cbody(k, _, j=j):
            t = tok_v[j, pl.ds(k * 16, 16)]
            c = cnt_v[j, pl.ds(k * 16, 16)]
            nc = c * (1.0 - _DECAY) + jnp.where(t == gpos, 1.0, 0.0)
            ncnt_v[j, pl.ds(k * 16, 16)] = nc
            return 0
        lax.fori_loop(0, 128 // 16, cbody, 0)
    pltpu.sync_copy(ncnt_v, out_cnt.at[pl.ds(trow, _ROWS)])

    @pl.when(wid == 0)
    def _():
        ibuf[...] = jnp.full((16,), gpos, jnp.int32)
        pltpu.sync_copy(ibuf.at[pl.ds(0, 1)], out_tok)

    cp_out.wait()


@jax.jit
def _run(rows, tok2d, cnt2d):
    mesh = plsc.VectorSubcoreMesh(
        core_axis_name="c", subcore_axis_name="s", num_cores=1)
    f = pl.kernel(
        _body,
        out_type=(
            jax.ShapeDtypeStruct((_V,), jnp.float32),
            jax.ShapeDtypeStruct((_T // 128, 128), jnp.float32),
            jax.ShapeDtypeStruct((1,), jnp.int32),
            jax.ShapeDtypeStruct((_NS, 16), jnp.float32),
            jax.ShapeDtypeStruct((_NS, 16), jnp.int32),
        ),
        mesh=mesh,
        compiler_params=pltpu.CompilerParams(needs_layout_passes=False),
        scratch_types=[
            pltpu.VMEM_SHARED((_V,), jnp.float32),
            pltpu.VMEM((_C,), jnp.float32),
            pltpu.VMEM((_ROWS, 128), jnp.int32),
            pltpu.VMEM((_ROWS, 128), jnp.float32),
            pltpu.VMEM((_ROWS, 128), jnp.float32),
            pltpu.VMEM((16,), jnp.float32),
            pltpu.VMEM((16,), jnp.int32),
            pltpu.VMEM((_NS, 16), jnp.float32),
            pltpu.VMEM((_NS, 16), jnp.int32),
            pltpu.VMEM((_ROWS, 128), jnp.float32),
            pltpu.SemaphoreType.DMA,
            pltpu.SemaphoreType.DMA,
            pltpu.SemaphoreType.DMA,
        ],
    )
    return f(rows, tok2d, cnt2d)


def kernel(logits, prev_tokens, counts):
    rows = logits[0, -1, :]
    tok2d = prev_tokens.reshape(_T // 128, 128)
    cnt2d = counts.reshape(_T // 128, 128)
    out_row, out_cnt, out_tok, _, _ = _run(rows, tok2d, cnt2d)
    return (out_tok, out_row, out_cnt.reshape(_T))

# --- scband reference (transcript-rebuilt; emitter-appended) ---
"""Pipeline reference for scband-repetition-penalizer-64854006170115 (READ-ONLY COPY).

The authoritative reference and input builder live on the scoring server;
editing this copy changes nothing except your own understanding.
"""

import jax, jax.numpy as jnp
import numpy as np

PRESENCE_PENALTY = 1.0
FREQUENCY_PENALTY = 0.5
PENALTY_DECAY = 0.1
VOCAB = 100000
SEQ = 128
T = 16384


def setup_inputs(seed: int = 0) -> dict:
    key = jax.random.key(seed)
    k1, k2, k3 = jax.random.split(key, 3)
    logits = jax.random.normal(k1, (1, SEQ, VOCAB), dtype=jnp.float32)
    # token_map keys: tokens previously generated (tracked penalty state)
    prev_tokens = jax.random.randint(k2, (T,), 0, VOCAB, dtype=jnp.int32)
    # token_map values: per-token occurrence counts (float due to decay)
    counts = jax.random.uniform(k3, (T,), dtype=jnp.float32) * 4.0
    return {"logits": logits, "prev_tokens": prev_tokens, "counts": counts}


def reference(logits, prev_tokens, counts):
    # for token in token_map: logits[0,-1,token] -= presence + count*frequency
    penalty = PRESENCE_PENALTY + counts * FREQUENCY_PENALTY
    last_row = logits[0, -1, :]
    penalized_row = last_row.at[prev_tokens].add(-penalty)
    # token_map[token] *= 1 - decay
    new_counts = counts * (1.0 - PENALTY_DECAY)
    # next_token = sampler(logits[0,-1,:]).unsqueeze(0)  (sampler modeled as argmax)
    next_token = jnp.argmax(penalized_row)[None]
    # token_map[next_token] += 1 (functional update of tracked counts)
    new_counts = new_counts + (prev_tokens == next_token[0]).astype(jnp.float32)
    return (next_token, penalized_row, new_counts)

if __name__ == "__main__":
    import jax
    _d = setup_inputs()
    print(jax.jit(kernel)(*tuple(_d.values())))

</pallas_src>

<mosaic_0001>
#map = affine_map<(d0, d1) -> (0)>
#map1 = affine_map<(d0, d1) -> (0, 0)>
module attributes {stable_mosaic.version = 14 : i64} {
  func.func @_body(%arg0: i32, %arg1: i32, %arg2: memref<100000xf32, #tpu.memory_space<hbm>>, %arg3: memref<128x128xi32, #tpu.memory_space<hbm>>, %arg4: memref<128x128xf32, #tpu.memory_space<hbm>>, %arg5: memref<100000xf32, #tpu.memory_space<hbm>>, %arg6: memref<128x128xf32, #tpu.memory_space<hbm>>, %arg7: memref<1xi32, #tpu.memory_space<hbm>>, %arg8: memref<16x16xf32, #tpu.memory_space<hbm>>, %arg9: memref<16x16xi32, #tpu.memory_space<hbm>>, %arg10: memref<100000xf32, #tpu.memory_space<vmem_shared>>, %arg11: memref<6272xf32, #tpu.memory_space<vmem>>, %arg12: memref<8x128xi32, #tpu.memory_space<vmem>>, %arg13: memref<8x128xf32, #tpu.memory_space<vmem>>, %arg14: memref<8x128xf32, #tpu.memory_space<vmem>>, %arg15: memref<16xf32, #tpu.memory_space<vmem>>, %arg16: memref<16xi32, #tpu.memory_space<vmem>>, %arg17: memref<16x16xf32, #tpu.memory_space<vmem>>, %arg18: memref<16x16xi32, #tpu.memory_space<vmem>>, %arg19: memref<8x128xf32, #tpu.memory_space<vmem>>, %arg20: memref<!tpu.dma_semaphore, #tpu.memory_space<semaphore_mem>>, %arg21: memref<!tpu.dma_semaphore, #tpu.memory_space<semaphore_mem>>, %arg22: memref<!tpu.dma_semaphore, #tpu.memory_space<semaphore_mem>>) attributes {dimension_semantics = [#tpu.dimension_semantics<core_parallel>, #tpu.dimension_semantics<subcore_parallel>], iteration_bounds = array<i64: 1, 16>, scalar_prefetch = 0 : i64, scratch_operands = 13 : i64, tpu.core_type = #tpu.core_type<sc_vector_subcore>, window_params = [{transform_indices = #map}, {transform_indices = #map1}, {transform_indices = #map1}, {transform_indices = #map}, {transform_indices = #map1}, {transform_indices = #map}, {transform_indices = #map1}, {transform_indices = #map1}]} {
    %mul3A = arith.constant 6272 : i32
    %mul3A_0 = arith.muli %arg1, %mul3A : i32
    %min3A = arith.constant 93728 : i32
    %min3A_1 = arith.minsi %mul3A_0, %min3A : i32
    %multiple_of3A = tpu.assume_multiple %min3A_1, 32 : i32
    %mul3A_2 = arith.constant 8 : i32
    %mul3A_3 = arith.muli %arg1, %mul3A_2 : i32
    %iota3A = tpu.iota {dimensions = array<i32: 0>} : vector<16xi32>
    %dma_start3A = tpu.memref_slice %arg2[%multiple_of3A] : memref<100000xf32, #tpu.memory_space<hbm>> -> memref<6272xf32, #tpu.memory_space<hbm>>
    %dma_start3A_4 = tpu.memref_slice %arg2[%multiple_of3A] : memref<100000xf32, #tpu.memory_space<hbm>> -> memref<6272xf32, #tpu.memory_space<hbm>>
    tpu.enqueue_dma source(%dma_start3A_4 : memref<6272xf32, #tpu.memory_space<hbm>>) target(%arg11 : memref<6272xf32, #tpu.memory_space<vmem>>) target_semaphore(%arg20 : memref<!tpu.dma_semaphore, #tpu.memory_space<semaphore_mem>>)
    %dma_start3A_5 = arith.constant 0 : i32
    %dma_start3A_6 = tpu.memref_slice %arg3[%mul3A_3, %dma_start3A_5] : memref<128x128xi32, #tpu.memory_space<hbm>> -> memref<8x128xi32, #tpu.memory_space<hbm>>
    %dma_start3A_7 = arith.constant 0 : i32
    %dma_start3A_8 = tpu.memref_slice %arg3[%mul3A_3, %dma_start3A_7] : memref<128x128xi32, #tpu.memory_space<hbm>> -> memref<8x128xi32, #tpu.memory_space<hbm>>
    tpu.enqueue_dma source(%dma_start3A_8 : memref<8x128xi32, #tpu.memory_space<hbm>>) target(%arg12 : memref<8x128xi32, #tpu.memory_space<vmem>>) target_semaphore(%arg21 : memref<!tpu.dma_semaphore, #tpu.memory_space<semaphore_mem>>)
    %dma_start3A_9 = arith.constant 0 : i32
    %dma_start3A_10 = tpu.memref_slice %arg4[%mul3A_3, %dma_start3A_9] : memref<128x128xf32, #tpu.memory_space<hbm>> -> memref<8x128xf32, #tpu.memory_space<hbm>>
    %dma_start3A_11 = arith.constant 0 : i32
    %dma_start3A_12 = tpu.memref_slice %arg4[%mul3A_3, %dma_start3A_11] : memref<128x128xf32, #tpu.memory_space<hbm>> -> memref<8x128xf32, #tpu.memory_space<hbm>>
    tpu.enqueue_dma source(%dma_start3A_12 : memref<8x128xf32, #tpu.memory_space<hbm>>) target(%arg13 : memref<8x128xf32, #tpu.memory_space<vmem>>) target_semaphore(%arg21 : memref<!tpu.dma_semaphore, #tpu.memory_space<semaphore_mem>>)
    %dma_wait3A = arith.constant 0 : i32
    %dma_wait3A_13 = tpu.memref_slice %arg3[%mul3A_3, %dma_wait3A] : memref<128x128xi32, #tpu.memory_space<hbm>> -> memref<8x128xi32, #tpu.memory_space<hbm>>
    %dma_wait3A_14 = arith.constant 0 : i32
    %dma_wait3A_15 = tpu.memref_slice %arg3[%mul3A_3, %dma_wait3A_14] : memref<128x128xi32, #tpu.memory_space<hbm>> -> memref<8x128xi32, #tpu.memory_space<hbm>>
    tpu.wait_dma2 semaphore(%arg21 : memref<!tpu.dma_semaphore, #tpu.memory_space<semaphore_mem>>) src(%dma_wait3A_15 : memref<8x128xi32, #tpu.memory_space<hbm>>) dst(%arg12 : memref<8x128xi32, #tpu.memory_space<vmem>>)
    %dma_wait3A_16 = arith.constant 0 : i32
    %dma_wait3A_17 = tpu.memref_slice %arg4[%mul3A_3, %dma_wait3A_16] : memref<128x128xf32, #tpu.memory_space<hbm>> -> memref<8x128xf32, #tpu.memory_space<hbm>>
    %dma_wait3A_18 = arith.constant 0 : i32
    %dma_wait3A_19 = tpu.memref_slice %arg4[%mul3A_3, %dma_wait3A_18] : memref<128x128xf32, #tpu.memory_space<hbm>> -> memref<8x128xf32, #tpu.memory_space<hbm>>
    tpu.wait_dma2 semaphore(%arg21 : memref<!tpu.dma_semaphore, #tpu.memory_space<semaphore_mem>>) src(%dma_wait3A_19 : memref<8x128xf32, #tpu.memory_space<hbm>>) dst(%arg13 : memref<8x128xf32, #tpu.memory_space<vmem>>)
    %scan3A = arith.constant 0 : i32
    %scan3A_20 = arith.constant 0 : i32
    %scan3A_21 = arith.constant 8 : i32
    %scan3A_22 = arith.addi %scan3A_20, %scan3A_21 : i32
    %scan3A_23 = arith.constant 1 : i32
    %scan3A_24 = scf.for %scan3A_516 = %scan3A_20 to %scan3A_22 step %scan3A_23 iter_args(%scan3A_517 = %scan3A) -> (i32)  : i32 {
      %mul3A_518 = arith.constant 16 : i32
      %mul3A_519 = arith.muli %scan3A_516, %mul3A_518 : i32
      %get3A_520 = arith.constant 0 : i32
      %get3A_521 = arith.index_cast %get3A_520 : i32 to index
      %get3A_522 = arith.index_cast %mul3A_519 : i32 to index
      %get3A_523 = tpu.vector_load %arg13[%get3A_521, %get3A_522] {strides = array<i32>} : memref<8x128xf32, #tpu.memory_space<vmem>>, vector<16xf32>,
      %mul3A_524 = arith.constant 5.000000e-01 : f32
      %mul3A_525 = vector.broadcast %mul3A_524 : f32 to vector<16xf32>
      %mul3A_526 = arith.mulf %mul3A_525, %get3A_523 : vector<16xf32>
      %sub3A = arith.constant -1.000000e+00 : f32
      %sub3A_527 = vector.broadcast %sub3A : f32 to vector<16xf32>
      %sub3A_528 = arith.subf %sub3A_527, %mul3A_526 : vector<16xf32>
      %mul3A_529 = arith.constant 16 : i32
      %mul3A_530 = arith.muli %scan3A_516, %mul3A_529 : i32
      %swap3A_531 = arith.constant 0 : i32
      %swap3A_532 = arith.index_cast %swap3A_531 : i32 to index
      %swap3A_533 = arith.index_cast %mul3A_530 : i32 to index
      %swap3A_534 = tpu.vector_load %arg14[%swap3A_532, %swap3A_533] {strides = array<i32>} : memref<8x128xf32, #tpu.memory_space<vmem>>, vector<16xf32>,
      tpu.vector_store %arg14[%swap3A_532, %swap3A_533], %sub3A_528 {strides = array<i32>} : memref<8x128xf32, #tpu.memory_space<vmem>>, vector<16xf32>,
      %scan3A_535 = arith.constant 0 : i32
      scf.yield %scan3A_535 : i32
    }
    %scan3A_25 = arith.constant 8 : i32
    %scan3A_26 = arith.constant 0 : i32
    %scan3A_27 = arith.constant 0 : i32
    %scan3A_28 = arith.constant 8 : i32
    %scan3A_29 = arith.addi %scan3A_27, %scan3A_28 : i32
    %scan3A_30 = arith.constant 1 : i32
    %scan3A_31 = scf.for %scan3A_516 = %scan3A_27 to %scan3A_29 step %scan3A_30 iter_args(%scan3A_517 = %scan3A_26) -> (i32)  : i32 {
      %mul3A_518 = arith.constant 16 : i32
      %mul3A_519 = arith.muli %scan3A_516, %mul3A_518 : i32
      %get3A_520 = arith.constant 1 : i32
      %get3A_521 = arith.index_cast %get3A_520 : i32 to index
      %get3A_522 = arith.index_cast %mul3A_519 : i32 to index
      %get3A_523 = tpu.vector_load %arg13[%get3A_521, %get3A_522] {strides = array<i32>} : memref<8x128xf32, #tpu.memory_space<vmem>>, vector<16xf32>,
      %mul3A_524 = arith.constant 5.000000e-01 : f32
      %mul3A_525 = vector.broadcast %mul3A_524 : f32 to vector<16xf32>
      %mul3A_526 = arith.mulf %mul3A_525, %get3A_523 : vector<16xf32>
      %sub3A = arith.constant -1.000000e+00 : f32
      %sub3A_527 = vector.broadcast %sub3A : f32 to vector<16xf32>
      %sub3A_528 = arith.subf %sub3A_527, %mul3A_526 : vector<16xf32>
      %mul3A_529 = arith.constant 16 : i32
      %mul3A_530 = arith.muli %scan3A_516, %mul3A_529 : i32
      %swap3A_531 = arith.constant 1 : i32
      %swap3A_532 = arith.index_cast %swap3A_531 : i32 to index
      %swap3A_533 = arith.index_cast %mul3A_530 : i32 to index
      %swap3A_534 = tpu.vector_load %arg14[%swap3A_532, %swap3A_533] {strides = array<i32>} : memref<8x128xf32, #tpu.memory_space<vmem>>, vector<16xf32>,
      tpu.vector_store %arg14[%swap3A_532, %swap3A_533], %sub3A_528 {strides = array<i32>} : memref<8x128xf32, #tpu.memory_space<vmem>>, vector<16xf32>,
      %scan3A_535 = arith.constant 0 : i32
      scf.yield %scan3A_535 : i32
    }
    %scan3A_32 = arith.constant 8 : i32
    %scan3A_33 = arith.constant 0 : i32
    %scan3A_34 = arith.constant 0 : i32
    %scan3A_35 = arith.constant 8 : i32
    %scan3A_36 = arith.addi %scan3A_34, %scan3A_35 : i32
    %scan3A_37 = arith.constant 1 : i32
    %scan3A_38 = scf.for %scan3A_516 = %scan3A_34 to %scan3A_36 step %scan3A_37 iter_args(%scan3A_517 = %scan3A_33) -> (i32)  : i32 {
      %mul3A_518 = arith.constant 16 : i32
      %mul3A_519 = arith.muli %scan3A_516, %mul3A_518 : i32
      %get3A_520 = arith.constant 2 : i32
      %get3A_521 = arith.index_cast %get3A_520 : i32 to index
      %get3A_522 = arith.index_cast %mul3A_519 : i32 to index
      %get3A_523 = tpu.vector_load %arg13[%get3A_521, %get3A_522] {strides = array<i32>} : memref<8x128xf32, #tpu.memory_space<vmem>>, vector<16xf32>,
      %mul3A_524 = arith.constant 5.000000e-01 : f32
      %mul3A_525 = vector.broadcast %mul3A_524 : f32 to vector<16xf32>
      %mul3A_526 = arith.mulf %mul3A_525, %get3A_523 : vector<16xf32>
      %sub3A = arith.constant -1.000000e+00 : f32
      %sub3A_527 = vector.broadcast %sub3A : f32 to vector<16xf32>
      %sub3A_528 = arith.subf %sub3A_527, %mul3A_526 : vector<16xf32>
      %mul3A_529 = arith.constant 16 : i32
      %mul3A_530 = arith.muli %scan3A_516, %mul3A_529 : i32
      %swap3A_531 = arith.constant 2 : i32
      %swap3A_532 = arith.index_cast %swap3A_531 : i32 to index
      %swap3A_533 = arith.index_cast %mul3A_530 : i32 to index
      %swap3A_534 = tpu.vector_load %arg14[%swap3A_532, %swap3A_533] {strides = array<i32>} : memref<8x128xf32, #tpu.memory_space<vmem>>, vector<16xf32>,
      tpu.vector_store %arg14[%swap3A_532, %swap3A_533], %sub3A_528 {strides = array<i32>} : memref<8x128xf32, #tpu.memory_space<vmem>>, vector<16xf32>,
      %scan3A_535 = arith.constant 0 : i32
      scf.yield %scan3A_535 : i32
    }
    %scan3A_39 = arith.constant 8 : i32
    %scan3A_40 = arith.constant 0 : i32
    %scan3A_41 = arith.constant 0 : i32
    %scan3A_42 = arith.constant 8 : i32
    %scan3A_43 = arith.addi %scan3A_41, %scan3A_42 : i32
    %scan3A_44 = arith.constant 1 : i32
    %scan3A_45 = scf.for %scan3A_516 = %scan3A_41 to %scan3A_43 step %scan3A_44 iter_args(%scan3A_517 = %scan3A_40) -> (i32)  : i32 {
      %mul3A_518 = arith.constant 16 : i32
      %mul3A_519 = arith.muli %scan3A_516, %mul3A_518 : i32
      %get3A_520 = arith.constant 3 : i32
      %get3A_521 = arith.index_cast %get3A_520 : i32 to index
      %get3A_522 = arith.index_cast %mul3A_519 : i32 to index
      %get3A_523 = tpu.vector_load %arg13[%get3A_521, %get3A_522] {strides = array<i32>} : memref<8x128xf32, #tpu.memory_space<vmem>>, vector<16xf32>,
      %mul3A_524 = arith.constant 5.000000e-01 : f32
      %mul3A_525 = vector.broadcast %mul3A_524 : f32 to vector<16xf32>
      %mul3A_526 = arith.mulf %mul3A_525, %get3A_523 : vector<16xf32>
      %sub3A = arith.constant -1.000000e+00 : f32
      %sub3A_527 = vector.broadcast %sub3A : f32 to vector<16xf32>
      %sub3A_528 = arith.subf %sub3A_527, %mul3A_526 : vector<16xf32>
      %mul3A_529 = arith.constant 16 : i32
      %mul3A_530 = arith.muli %scan3A_516, %mul3A_529 : i32
      %swap3A_531 = arith.constant 3 : i32
      %swap3A_532 = arith.index_cast %swap3A_531 : i32 to index
      %swap3A_533 = arith.index_cast %mul3A_530 : i32 to index
      %swap3A_534 = tpu.vector_load %arg14[%swap3A_532, %swap3A_533] {strides = array<i32>} : memref<8x128xf32, #tpu.memory_space<vmem>>, vector<16xf32>,
      tpu.vector_store %arg14[%swap3A_532, %swap3A_533], %sub3A_528 {strides = array<i32>} : memref<8x128xf32, #tpu.memory_space<vmem>>, vector<16xf32>,
      %scan3A_535 = arith.constant 0 : i32
      scf.yield %scan3A_535 : i32
    }
    %scan3A_46 = arith.constant 8 : i32
    %scan3A_47 = arith.constant 0 : i32
    %scan3A_48 = arith.constant 0 : i32
    %scan3A_49 = arith.constant 8 : i32
    %scan3A_50 = arith.addi %scan3A_48, %scan3A_49 : i32
    %scan3A_51 = arith.constant 1 : i32
    %scan3A_52 = scf.for %scan3A_516 = %scan3A_48 to %scan3A_50 step %scan3A_51 iter_args(%scan3A_517 = %scan3A_47) -> (i32)  : i32 {
      %mul3A_518 = arith.constant 16 : i32
      %mul3A_519 = arith.muli %scan3A_516, %mul3A_518 : i32
      %get3A_520 = arith.constant 4 : i32
      %get3A_521 = arith.index_cast %get3A_520 : i32 to index
      %get3A_522 = arith.index_cast %mul3A_519 : i32 to index
      %get3A_523 = tpu.vector_load %arg13[%get3A_521, %get3A_522] {strides = array<i32>} : memref<8x128xf32, #tpu.memory_space<vmem>>, vector<16xf32>,
      %mul3A_524 = arith.constant 5.000000e-01 : f32
      %mul3A_525 = vector.broadcast %mul3A_524 : f32 to vector<16xf32>
      %mul3A_526 = arith.mulf %mul3A_525, %get3A_523 : vector<16xf32>
      %sub3A = arith.constant -1.000000e+00 : f32
      %sub3A_527 = vector.broadcast %sub3A : f32 to vector<16xf32>
      %sub3A_528 = arith.subf %sub3A_527, %mul3A_526 : vector<16xf32>
      %mul3A_529 = arith.constant 16 : i32
      %mul3A_530 = arith.muli %scan3A_516, %mul3A_529 : i32
      %swap3A_531 = arith.constant 4 : i32
      %swap3A_532 = arith.index_cast %swap3A_531 : i32 to index
      %swap3A_533 = arith.index_cast %mul3A_530 : i32 to index
      %swap3A_534 = tpu.vector_load %arg14[%swap3A_532, %swap3A_533] {strides = array<i32>} : memref<8x128xf32, #tpu.memory_space<vmem>>, vector<16xf32>,
      tpu.vector_store %arg14[%swap3A_532, %swap3A_533], %sub3A_528 {strides = array<i32>} : memref<8x128xf32, #tpu.memory_space<vmem>>, vector<16xf32>,
      %scan3A_535 = arith.constant 0 : i32
      scf.yield %scan3A_535 : i32
    }
    %scan3A_53 = arith.constant 8 : i32
    %scan3A_54 = arith.constant 0 : i32
    %scan3A_55 = arith.constant 0 : i32
    %scan3A_56 = arith.constant 8 : i32
    %scan3A_57 = arith.addi %scan3A_55, %scan3A_56 : i32
    %scan3A_58 = arith.constant 1 : i32
    %scan3A_59 = scf.for %scan3A_516 = %scan3A_55 to %scan3A_57 step %scan3A_58 iter_args(%scan3A_517 = %scan3A_54) -> (i32)  : i32 {
      %mul3A_518 = arith.constant 16 : i32
      %mul3A_519 = arith.muli %scan3A_516, %mul3A_518 : i32
      %get3A_520 = arith.constant 5 : i32
      %get3A_521 = arith.index_cast %get3A_520 : i32 to index
      %get3A_522 = arith.index_cast %mul3A_519 : i32 to index
      %get3A_523 = tpu.vector_load %arg13[%get3A_521, %get3A_522] {strides = array<i32>} : memref<8x128xf32, #tpu.memory_space<vmem>>, vector<16xf32>,
      %mul3A_524 = arith.constant 5.000000e-01 : f32
      %mul3A_525 = vector.broadcast %mul3A_524 : f32 to vector<16xf32>
      %mul3A_526 = arith.mulf %mul3A_525, %get3A_523 : vector<16xf32>
      %sub3A = arith.constant -1.000000e+00 : f32
      %sub3A_527 = vector.broadcast %sub3A : f32 to vector<16xf32>
      %sub3A_528 = arith.subf %sub3A_527, %mul3A_526 : vector<16xf32>
      %mul3A_529 = arith.constant 16 : i32
      %mul3A_530 = arith.muli %scan3A_516, %mul3A_529 : i32
      %swap3A_531 = arith.constant 5 : i32
      %swap3A_532 = arith.index_cast %swap3A_531 : i32 to index
      %swap3A_533 = arith.index_cast %mul3A_530 : i32 to index
      %swap3A_534 = tpu.vector_load %arg14[%swap3A_532, %swap3A_533] {strides = array<i32>} : memref<8x128xf32, #tpu.memory_space<vmem>>, vector<16xf32>,
      tpu.vector_store %arg14[%swap3A_532, %swap3A_533], %sub3A_528 {strides = array<i32>} : memref<8x128xf32, #tpu.memory_space<vmem>>, vector<16xf32>,
      %scan3A_535 = arith.constant 0 : i32
      scf.yield %scan3A_535 : i32
    }
    %scan3A_60 = arith.constant 8 : i32
    %scan3A_61 = arith.constant 0 : i32
    %scan3A_62 = arith.constant 0 : i32
    %scan3A_63 = arith.constant 8 : i32
    %scan3A_64 = arith.addi %scan3A_62, %scan3A_63 : i32
    %scan3A_65 = arith.constant 1 : i32
    %scan3A_66 = scf.for %scan3A_516 = %scan3A_62 to %scan3A_64 step %scan3A_65 iter_args(%scan3A_517 = %scan3A_61) -> (i32)  : i32 {
      %mul3A_518 = arith.constant 16 : i32
      %mul3A_519 = arith.muli %scan3A_516, %mul3A_518 : i32
      %get3A_520 = arith.constant 6 : i32
      %get3A_521 = arith.index_cast %get3A_520 : i32 to index
      %get3A_522 = arith.index_cast %mul3A_519 : i32 to index
      %get3A_523 = tpu.vector_load %arg13[%get3A_521, %get3A_522] {strides = array<i32>} : memref<8x128xf32, #tpu.memory_space<vmem>>, vector<16xf32>,
      %mul3A_524 = arith.constant 5.000000e-01 : f32
      %mul3A_525 = vector.broadcast %mul3A_524 : f32 to vector<16xf32>
      %mul3A_526 = arith.mulf %mul3A_525, %get3A_523 : vector<16xf32>
      %sub3A = arith.constant -1.000000e+00 : f32
      %sub3A_527 = vector.broadcast %sub3A : f32 to vector<16xf32>
      %sub3A_528 = arith.subf %sub3A_527, %mul3A_526 : vector<16xf32>
      %mul3A_529 = arith.constant 16 : i32
      %mul3A_530 = arith.muli %scan3A_516, %mul3A_529 : i32
      %swap3A_531 = arith.constant 6 : i32
      %swap3A_532 = arith.index_cast %swap3A_531 : i32 to index
      %swap3A_533 = arith.index_cast %mul3A_530 : i32 to index
      %swap3A_534 = tpu.vector_load %arg14[%swap3A_532, %swap3A_533] {strides = array<i32>} : memref<8x128xf32, #tpu.memory_space<vmem>>, vector<16xf32>,
      tpu.vector_store %arg14[%swap3A_532, %swap3A_533], %sub3A_528 {strides = array<i32>} : memref<8x128xf32, #tpu.memory_space<vmem>>, vector<16xf32>,
      %scan3A_535 = arith.constant 0 : i32
      scf.yield %scan3A_535 : i32
    }
    %scan3A_67 = arith.constant 8 : i32
    %scan3A_68 = arith.constant 0 : i32
    %scan3A_69 = arith.constant 0 : i32
    %scan3A_70 = arith.constant 8 : i32
    %scan3A_71 = arith.addi %scan3A_69, %scan3A_70 : i32
    %scan3A_72 = arith.constant 1 : i32
    %scan3A_73 = scf.for %scan3A_516 = %scan3A_69 to %scan3A_71 step %scan3A_72 iter_args(%scan3A_517 = %scan3A_68) -> (i32)  : i32 {
      %mul3A_518 = arith.constant 16 : i32
      %mul3A_519 = arith.muli %scan3A_516, %mul3A_518 : i32
      %get3A_520 = arith.constant 7 : i32
      %get3A_521 = arith.index_cast %get3A_520 : i32 to index
      %get3A_522 = arith.index_cast %mul3A_519 : i32 to index
      %get3A_523 = tpu.vector_load %arg13[%get3A_521, %get3A_522] {strides = array<i32>} : memref<8x128xf32, #tpu.memory_space<vmem>>, vector<16xf32>,
      %mul3A_524 = arith.constant 5.000000e-01 : f32
      %mul3A_525 = vector.broadcast %mul3A_524 : f32 to vector<16xf32>
      %mul3A_526 = arith.mulf %mul3A_525, %get3A_523 : vector<16xf32>
      %sub3A = arith.constant -1.000000e+00 : f32
      %sub3A_527 = vector.broadcast %sub3A : f32 to vector<16xf32>
      %sub3A_528 = arith.subf %sub3A_527, %mul3A_526 : vector<16xf32>
      %mul3A_529 = arith.constant 16 : i32
      %mul3A_530 = arith.muli %scan3A_516, %mul3A_529 : i32
      %swap3A_531 = arith.constant 7 : i32
      %swap3A_532 = arith.index_cast %swap3A_531 : i32 to index
      %swap3A_533 = arith.index_cast %mul3A_530 : i32 to index
      %swap3A_534 = tpu.vector_load %arg14[%swap3A_532, %swap3A_533] {strides = array<i32>} : memref<8x128xf32, #tpu.memory_space<vmem>>, vector<16xf32>,
      tpu.vector_store %arg14[%swap3A_532, %swap3A_533], %sub3A_528 {strides = array<i32>} : memref<8x128xf32, #tpu.memory_space<vmem>>, vector<16xf32>,
      %scan3A_535 = arith.constant 0 : i32
      scf.yield %scan3A_535 : i32
    }
    %scan3A_74 = arith.constant 8 : i32
    %dma_wait3A_75 = tpu.memref_slice %arg2[%multiple_of3A] : memref<100000xf32, #tpu.memory_space<hbm>> -> memref<6272xf32, #tpu.memory_space<hbm>>
    %dma_wait3A_76 = tpu.memref_slice %arg2[%multiple_of3A] : memref<100000xf32, #tpu.memory_space<hbm>> -> memref<6272xf32, #tpu.memory_space<hbm>>
    tpu.wait_dma2 semaphore(%arg20 : memref<!tpu.dma_semaphore, #tpu.memory_space<semaphore_mem>>) src(%dma_wait3A_76 : memref<6272xf32, #tpu.memory_space<hbm>>) dst(%arg11 : memref<6272xf32, #tpu.memory_space<vmem>>)
    "tpu.region"() ({
      %run_scoped3A = tpu.sem_alloc : memref<!tpu.dma_semaphore, #tpu.memory_space<semaphore_mem>>
      %dma_start3A_516 = tpu.memref_slice %arg10[%multiple_of3A] : memref<100000xf32, #tpu.memory_space<vmem_shared>> -> memref<6272xf32, #tpu.memory_space<vmem_shared>>
      %dma_start3A_517 = tpu.memref_slice %arg10[%multiple_of3A] : memref<100000xf32, #tpu.memory_space<vmem_shared>> -> memref<6272xf32, #tpu.memory_space<vmem_shared>>
      tpu.enqueue_dma source(%arg11 : memref<6272xf32, #tpu.memory_space<vmem>>) target(%dma_start3A_517 : memref<6272xf32, #tpu.memory_space<vmem_shared>>) target_semaphore(%run_scoped3A : memref<!tpu.dma_semaphore, #tpu.memory_space<semaphore_mem>>)
      %dma_wait3A_518 = tpu.memref_slice %arg10[%multiple_of3A] : memref<100000xf32, #tpu.memory_space<vmem_shared>> -> memref<6272xf32, #tpu.memory_space<vmem_shared>>
      %dma_wait3A_519 = tpu.memref_slice %arg10[%multiple_of3A] : memref<100000xf32, #tpu.memory_space<vmem_shared>> -> memref<6272xf32, #tpu.memory_space<vmem_shared>>
      tpu.wait_dma2 semaphore(%run_scoped3A : memref<!tpu.dma_semaphore, #tpu.memory_space<semaphore_mem>>) src(%arg11 : memref<6272xf32, #tpu.memory_space<vmem>>) dst(%dma_wait3A_519 : memref<6272xf32, #tpu.memory_space<vmem_shared>>)
      tpu.yield
    }) : () -> ()
    %barrier3A = arith.constant 0 : index
    tpu.barrier barrier_id(%barrier3A)
    %dma_start3A_77 = arith.constant 0 : i32
    %dma_start3A_78 = arith.constant 0 : i32
    %dma_start3A_79 = arith.constant 0 : i32
    %dma_start3A_80 = tpu.memref_slice %arg14[%dma_start3A_77, %dma_start3A_79] : memref<8x128xf32, #tpu.memory_space<vmem>> -> memref<1x128xf32, #tpu.memory_space<vmem>>
    %dma_start3A_81 = tpu.memref_squeeze %dma_start3A_80 : memref<1x128xf32, #tpu.memory_space<vmem>> -> memref<128xf32, #tpu.memory_space<vmem>>
    %dma_start3A_82 = arith.constant 0 : i32
    %dma_start3A_83 = tpu.memref_slice %arg12[%dma_start3A_78, %dma_start3A_82] : memref<8x128xi32, #tpu.memory_space<vmem>> -> memref<1x128xi32, #tpu.memory_space<vmem>>
    %dma_start3A_84 = tpu.memref_squeeze %dma_start3A_83 : memref<1x128xi32, #tpu.memory_space<vmem>> -> memref<128xi32, #tpu.memory_space<vmem>>
    %dma_start3A_85 = arith.constant 0 : i32
    %dma_start3A_86 = tpu.memref_slice %arg10[%dma_start3A_85] : memref<100000xf32, #tpu.memory_space<vmem_shared>> -> memref<100000xf32, #tpu.memory_space<vmem_shared>>
    tpu.enqueue_indirect_dma source(%dma_start3A_81 : memref<128xf32, #tpu.memory_space<vmem>>) target(%dma_start3A_86 : memref<100000xf32, #tpu.memory_space<vmem_shared>>) offsets(%dma_start3A_84 : memref<128xi32, #tpu.memory_space<vmem>>) semaphore(%arg22 : memref<!tpu.dma_semaphore, #tpu.memory_space<semaphore_mem>>) {add = true}
    %dma_start3A_87 = arith.constant 1 : i32
    %dma_start3A_88 = arith.constant 1 : i32
    %dma_start3A_89 = arith.constant 0 : i32
    %dma_start3A_90 = tpu.memref_slice %arg14[%dma_start3A_87, %dma_start3A_89] : memref<8x128xf32, #tpu.memory_space<vmem>> -> memref<1x128xf32, #tpu.memory_space<vmem>>
    %dma_start3A_91 = tpu.memref_squeeze %dma_start3A_90 : memref<1x128xf32, #tpu.memory_space<vmem>> -> memref<128xf32, #tpu.memory_space<vmem>>
    %dma_start3A_92 = arith.constant 0 : i32
    %dma_start3A_93 = tpu.memref_slice %arg12[%dma_start3A_88, %dma_start3A_92] : memref<8x128xi32, #tpu.memory_space<vmem>> -> memref<1x128xi32, #tpu.memory_space<vmem>>
    %dma_start3A_94 = tpu.memref_squeeze %dma_start3A_93 : memref<1x128xi32, #tpu.memory_space<vmem>> -> memref<128xi32, #tpu.memory_space<vmem>>
    %dma_start3A_95 = arith.constant 0 : i32
    %dma_start3A_96 = tpu.memref_slice %arg10[%dma_start3A_95] : memref<100000xf32, #tpu.memory_space<vmem_shared>> -> memref<100000xf32, #tpu.memory_space<vmem_shared>>
    tpu.enqueue_indirect_dma source(%dma_start3A_91 : memref<128xf32, #tpu.memory_space<vmem>>) target(%dma_start3A_96 : memref<100000xf32, #tpu.memory_space<vmem_shared>>) offsets(%dma_start3A_94 : memref<128xi32, #tpu.memory_space<vmem>>) semaphore(%arg22 : memref<!tpu.dma_semaphore, #tpu.memory_space<semaphore_mem>>) {add = true}
    %dma_start3A_97 = arith.constant 2 : i32
    %dma_start3A_98 = arith.constant 2 : i32
    %dma_start3A_99 = arith.constant 0 : i32
    %dma_start3A_100 = tpu.memref_slice %arg14[%dma_start3A_97, %dma_start3A_99] : memref<8x128xf32, #tpu.memory_space<vmem>> -> memref<1x128xf32, #tpu.memory_space<vmem>>
    %dma_start3A_101 = tpu.memref_squeeze %dma_start3A_100 : memref<1x128xf32, #tpu.memory_space<vmem>> -> memref<128xf32, #tpu.memory_space<vmem>>
    %dma_start3A_102 = arith.constant 0 : i32
    %dma_start3A_103 = tpu.memref_slice %arg12[%dma_start3A_98, %dma_start3A_102] : memref<8x128xi32, #tpu.memory_space<vmem>> -> memref<1x128xi32, #tpu.memory_space<vmem>>
    %dma_start3A_104 = tpu.memref_squeeze %dma_start3A_103 : memref<1x128xi32, #tpu.memory_space<vmem>> -> memref<128xi32, #tpu.memory_space<vmem>>
    %dma_start3A_105 = arith.constant 0 : i32
    %dma_start3A_106 = tpu.memref_slice %arg10[%dma_start3A_105] : memref<100000xf32, #tpu.memory_space<vmem_shared>> -> memref<100000xf32, #tpu.memory_space<vmem_shared>>
    tpu.enqueue_indirect_dma source(%dma_start3A_101 : memref<128xf32, #tpu.memory_space<vmem>>) target(%dma_start3A_106 : memref<100000xf32, #tpu.memory_space<vmem_shared>>) offsets(%dma_start3A_104 : memref<128xi32, #tpu.memory_space<vmem>>) semaphore(%arg22 : memref<!tpu.dma_semaphore, #tpu.memory_space<semaphore_mem>>) {add = true}
    %dma_start3A_107 = arith.constant 3 : i32
    %dma_start3A_108 = arith.constant 3 : i32
    %dma_start3A_109 = arith.constant 0 : i32
    %dma_start3A_110 = tpu.memref_slice %arg14[%dma_start3A_107, %dma_start3A_109] : memref<8x128xf32, #tpu.memory_space<vmem>> -> memref<1x128xf32, #tpu.memory_space<vmem>>
    %dma_start3A_111 = tpu.memref_squeeze %dma_start3A_110 : memref<1x128xf32, #tpu.memory_space<vmem>> -> memref<128xf32, #tpu.memory_space<vmem>>
    %dma_start3A_112 = arith.constant 0 : i32
    %dma_start3A_113 = tpu.memref_slice %arg12[%dma_start3A_108, %dma_start3A_112] : memref<8x128xi32, #tpu.memory_space<vmem>> -> memref<1x128xi32, #tpu.memory_space<vmem>>
    %dma_start3A_114 = tpu.memref_squeeze %dma_start3A_113 : memref<1x128xi32, #tpu.memory_space<vmem>> -> memref<128xi32, #tpu.memory_space<vmem>>
    %dma_start3A_115 = arith.constant 0 : i32
    %dma_start3A_116 = tpu.memref_slice %arg10[%dma_start3A_115] : memref<100000xf32, #tpu.memory_space<vmem_shared>> -> memref<100000xf32, #tpu.memory_space<vmem_shared>>
    tpu.enqueue_indirect_dma source(%dma_start3A_111 : memref<128xf32, #tpu.memory_space<vmem>>) target(%dma_start3A_116 : memref<100000xf32, #tpu.memory_space<vmem_shared>>) offsets(%dma_start3A_114 : memref<128xi32, #tpu.memory_space<vmem>>) semaphore(%arg22 : memref<!tpu.dma_semaphore, #tpu.memory_space<semaphore_mem>>) {add = true}
    %dma_start3A_117 = arith.constant 4 : i32
    %dma_start3A_118 = arith.constant 4 : i32
    %dma_start3A_119 = arith.constant 0 : i32
    %dma_start3A_120 = tpu.memref_slice %arg14[%dma_start3A_117, %dma_start3A_119] : memref<8x128xf32, #tpu.memory_space<vmem>> -> memref<1x128xf32, #tpu.memory_space<vmem>>
    %dma_start3A_121 = tpu.memref_squeeze %dma_start3A_120 : memref<1x128xf32, #tpu.memory_space<vmem>> -> memref<128xf32, #tpu.memory_space<vmem>>
    %dma_start3A_122 = arith.constant 0 : i32
    %dma_start3A_123 = tpu.memref_slice %arg12[%dma_start3A_118, %dma_start3A_122] : memref<8x128xi32, #tpu.memory_space<vmem>> -> memref<1x128xi32, #tpu.memory_space<vmem>>
    %dma_start3A_124 = tpu.memref_squeeze %dma_start3A_123 : memref<1x128xi32, #tpu.memory_space<vmem>> -> memref<128xi32, #tpu.memory_space<vmem>>
    %dma_start3A_125 = arith.constant 0 : i32
    %dma_start3A_126 = tpu.memref_slice %arg10[%dma_start3A_125] : memref<100000xf32, #tpu.memory_space<vmem_shared>> -> memref<100000xf32, #tpu.memory_space<vmem_shared>>
    tpu.enqueue_indirect_dma source(%dma_start3A_121 : memref<128xf32, #tpu.memory_space<vmem>>) target(%dma_start3A_126 : memref<100000xf32, #tpu.memory_space<vmem_shared>>) offsets(%dma_start3A_124 : memref<128xi32, #tpu.memory_space<vmem>>) semaphore(%arg22 : memref<!tpu.dma_semaphore, #tpu.memory_space<semaphore_mem>>) {add = true}
    %dma_start3A_127 = arith.constant 5 : i32
    %dma_start3A_128 = arith.constant 5 : i32
    %dma_start3A_129 = arith.constant 0 : i32
    %dma_start3A_130 = tpu.memref_slice %arg14[%dma_start3A_127, %dma_start3A_129] : memref<8x128xf32, #tpu.memory_space<vmem>> -> memref<1x128xf32, #tpu.memory_space<vmem>>
    %dma_start3A_131 = tpu.memref_squeeze %dma_start3A_130 : memref<1x128xf32, #tpu.memory_space<vmem>> -> memref<128xf32, #tpu.memory_space<vmem>>
    %dma_start3A_132 = arith.constant 0 : i32
    %dma_start3A_133 = tpu.memref_slice %arg12[%dma_start3A_128, %dma_start3A_132] : memref<8x128xi32, #tpu.memory_space<vmem>> -> memref<1x128xi32, #tpu.memory_space<vmem>>
    %dma_start3A_134 = tpu.memref_squeeze %dma_start3A_133 : memref<1x128xi32, #tpu.memory_space<vmem>> -> memref<128xi32, #tpu.memory_space<vmem>>
    %dma_start3A_135 = arith.constant 0 : i32
    %dma_start3A_136 = tpu.memref_slice %arg10[%dma_start3A_135] : memref<100000xf32, #tpu.memory_space<vmem_shared>> -> memref<100000xf32, #tpu.memory_space<vmem_shared>>
    tpu.enqueue_indirect_dma source(%dma_start3A_131 : memref<128xf32, #tpu.memory_space<vmem>>) target(%dma_start3A_136 : memref<100000xf32, #tpu.memory_space<vmem_shared>>) offsets(%dma_start3A_134 : memref<128xi32, #tpu.memory_space<vmem>>) semaphore(%arg22 : memref<!tpu.dma_semaphore, #tpu.memory_space<semaphore_mem>>) {add = true}
    %dma_start3A_137 = arith.constant 6 : i32
    %dma_start3A_138 = arith.constant 6 : i32
    %dma_start3A_139 = arith.constant 0 : i32
    %dma_start3A_140 = tpu.memref_slice %arg14[%dma_start3A_137, %dma_start3A_139] : memref<8x128xf32, #tpu.memory_space<vmem>> -> memref<1x128xf32, #tpu.memory_space<vmem>>
    %dma_start3A_141 = tpu.memref_squeeze %dma_start3A_140 : memref<1x128xf32, #tpu.memory_space<vmem>> -> memref<128xf32, #tpu.memory_space<vmem>>
    %dma_start3A_142 = arith.constant 0 : i32
    %dma_start3A_143 = tpu.memref_slice %arg12[%dma_start3A_138, %dma_start3A_142] : memref<8x128xi32, #tpu.memory_space<vmem>> -> memref<1x128xi32, #tpu.memory_space<vmem>>
    %dma_start3A_144 = tpu.memref_squeeze %dma_start3A_143 : memref<1x128xi32, #tpu.memory_space<vmem>> -> memref<128xi32, #tpu.memory_space<vmem>>
    %dma_start3A_145 = arith.constant 0 : i32
    %dma_start3A_146 = tpu.memref_slice %arg10[%dma_start3A_145] : memref<100000xf32, #tpu.memory_space<vmem_shared>> -> memref<100000xf32, #tpu.memory_space<vmem_shared>>
    tpu.enqueue_indirect_dma source(%dma_start3A_141 : memref<128xf32, #tpu.memory_space<vmem>>) target(%dma_start3A_146 : memref<100000xf32, #tpu.memory_space<vmem_shared>>) offsets(%dma_start3A_144 : memref<128xi32, #tpu.memory_space<vmem>>) semaphore(%arg22 : memref<!tpu.dma_semaphore, #tpu.memory_space<semaphore_mem>>) {add = true}
    %dma_start3A_147 = arith.constant 7 : i32
    %dma_start3A_148 = arith.constant 7 : i32
    %dma_start3A_149 = arith.constant 0 : i32
    %dma_start3A_150 = tpu.memref_slice %arg14[%dma_start3A_147, %dma_start3A_149] : memref<8x128xf32, #tpu.memory_space<vmem>> -> memref<1x128xf32, #tpu.memory_space<vmem>>
    %dma_start3A_151 = tpu.memref_squeeze %dma_start3A_150 : memref<1x128xf32, #tpu.memory_space<vmem>> -> memref<128xf32, #tpu.memory_space<vmem>>
    %dma_start3A_152 = arith.constant 0 : i32
    %dma_start3A_153 = tpu.memref_slice %arg12[%dma_start3A_148, %dma_start3A_152] : memref<8x128xi32, #tpu.memory_space<vmem>> -> memref<1x128xi32, #tpu.memory_space<vmem>>
    %dma_start3A_154 = tpu.memref_squeeze %dma_start3A_153 : memref<1x128xi32, #tpu.memory_space<vmem>> -> memref<128xi32, #tpu.memory_space<vmem>>
    %dma_start3A_155 = arith.constant 0 : i32
    %dma_start3A_156 = tpu.memref_slice %arg10[%dma_start3A_155] : memref<100000xf32, #tpu.memory_space<vmem_shared>> -> memref<100000xf32, #tpu.memory_space<vmem_shared>>
    tpu.enqueue_indirect_dma source(%dma_start3A_151 : memref<128xf32, #tpu.memory_space<vmem>>) target(%dma_start3A_156 : memref<100000xf32, #tpu.memory_space<vmem_shared>>) offsets(%dma_start3A_154 : memref<128xi32, #tpu.memory_space<vmem>>) semaphore(%arg22 : memref<!tpu.dma_semaphore, #tpu.memory_space<semaphore_mem>>) {add = true}
    %dma_wait3A_157 = arith.constant 0 : i32
    %dma_wait3A_158 = arith.constant 0 : i32
    %dma_wait3A_159 = arith.constant 0 : i32
    %dma_wait3A_160 = tpu.memref_slice %arg14[%dma_wait3A_157, %dma_wait3A_159] : memref<8x128xf32, #tpu.memory_space<vmem>> -> memref<1x128xf32, #tpu.memory_space<vmem>>
    %dma_wait3A_161 = tpu.memref_squeeze %dma_wait3A_160 : memref<1x128xf32, #tpu.memory_space<vmem>> -> memref<128xf32, #tpu.memory_space<vmem>>
    %dma_wait3A_162 = arith.constant 0 : i32
    %dma_wait3A_163 = tpu.memref_slice %arg12[%dma_wait3A_158, %dma_wait3A_162] : memref<8x128xi32, #tpu.memory_space<vmem>> -> memref<1x128xi32, #tpu.memory_space<vmem>>
    %dma_wait3A_164 = tpu.memref_squeeze %dma_wait3A_163 : memref<1x128xi32, #tpu.memory_space<vmem>> -> memref<128xi32, #tpu.memory_space<vmem>>
    %dma_wait3A_165 = arith.constant 0 : i32
    %dma_wait3A_166 = tpu.memref_slice %arg10[%dma_wait3A_165] : memref<100000xf32, #tpu.memory_space<vmem_shared>> -> memref<100000xf32, #tpu.memory_space<vmem_shared>>
    tpu.wait_indirect_dma semaphore(%arg22 : memref<!tpu.dma_semaphore, #tpu.memory_space<semaphore_mem>>) src(%dma_wait3A_161 : memref<128xf32, #tpu.memory_space<vmem>>) dst(%dma_wait3A_166 : memref<100000xf32, #tpu.memory_space<vmem_shared>>)
    %dma_wait3A_167 = arith.constant 1 : i32
    %dma_wait3A_168 = arith.constant 1 : i32
    %dma_wait3A_169 = arith.constant 0 : i32
    %dma_wait3A_170 = tpu.memref_slice %arg14[%dma_wait3A_167, %dma_wait3A_169] : memref<8x128xf32, #tpu.memory_space<vmem>> -> memref<1x128xf32, #tpu.memory_space<vmem>>
    %dma_wait3A_171 = tpu.memref_squeeze %dma_wait3A_170 : memref<1x128xf32, #tpu.memory_space<vmem>> -> memref<128xf32, #tpu.memory_space<vmem>>
    %dma_wait3A_172 = arith.constant 0 : i32
    %dma_wait3A_173 = tpu.memref_slice %arg12[%dma_wait3A_168, %dma_wait3A_172] : memref<8x128xi32, #tpu.memory_space<vmem>> -> memref<1x128xi32, #tpu.memory_space<vmem>>
    %dma_wait3A_174 = tpu.memref_squeeze %dma_wait3A_173 : memref<1x128xi32, #tpu.memory_space<vmem>> -> memref<128xi32, #tpu.memory_space<vmem>>
    %dma_wait3A_175 = arith.constant 0 : i32
    %dma_wait3A_176 = tpu.memref_slice %arg10[%dma_wait3A_175] : memref<100000xf32, #tpu.memory_space<vmem_shared>> -> memref<100000xf32, #tpu.memory_space<vmem_shared>>
    tpu.wait_indirect_dma semaphore(%arg22 : memref<!tpu.dma_semaphore, #tpu.memory_space<semaphore_mem>>) src(%dma_wait3A_171 : memref<128xf32, #tpu.memory_space<vmem>>) dst(%dma_wait3A_176 : memref<100000xf32, #tpu.memory_space<vmem_shared>>)
    %dma_wait3A_177 = arith.constant 2 : i32
    %dma_wait3A_178 = arith.constant 2 : i32
    %dma_wait3A_179 = arith.constant 0 : i32
    %dma_wait3A_180 = tpu.memref_slice %arg14[%dma_wait3A_177, %dma_wait3A_179] : memref<8x128xf32, #tpu.memory_space<vmem>> -> memref<1x128xf32, #tpu.memory_space<vmem>>
    %dma_wait3A_181 = tpu.memref_squeeze %dma_wait3A_180 : memref<1x128xf32, #tpu.memory_space<vmem>> -> memref<128xf32, #tpu.memory_space<vmem>>
    %dma_wait3A_182 = arith.constant 0 : i32
    %dma_wait3A_183 = tpu.memref_slice %arg12[%dma_wait3A_178, %dma_wait3A_182] : memref<8x128xi32, #tpu.memory_space<vmem>> -> memref<1x128xi32, #tpu.memory_space<vmem>>
    %dma_wait3A_184 = tpu.memref_squeeze %dma_wait3A_183 : memref<1x128xi32, #tpu.memory_space<vmem>> -> memref<128xi32, #tpu.memory_space<vmem>>
    %dma_wait3A_185 = arith.constant 0 : i32
    %dma_wait3A_186 = tpu.memref_slice %arg10[%dma_wait3A_185] : memref<100000xf32, #tpu.memory_space<vmem_shared>> -> memref<100000xf32, #tpu.memory_space<vmem_shared>>
    tpu.wait_indirect_dma semaphore(%arg22 : memref<!tpu.dma_semaphore, #tpu.memory_space<semaphore_mem>>) src(%dma_wait3A_181 : memref<128xf32, #tpu.memory_space<vmem>>) dst(%dma_wait3A_186 : memref<100000xf32, #tpu.memory_space<vmem_shared>>)
    %dma_wait3A_187 = arith.constant 3 : i32
    %dma_wait3A_188 = arith.constant 3 : i32
    %dma_wait3A_189 = arith.constant 0 : i32
    %dma_wait3A_190 = tpu.memref_slice %arg14[%dma_wait3A_187, %dma_wait3A_189] : memref<8x128xf32, #tpu.memory_space<vmem>> -> memref<1x128xf32, #tpu.memory_space<vmem>>
    %dma_wait3A_191 = tpu.memref_squeeze %dma_wait3A_190 : memref<1x128xf32, #tpu.memory_space<vmem>> -> memref<128xf32, #tpu.memory_space<vmem>>
    %dma_wait3A_192 = arith.constant 0 : i32
    %dma_wait3A_193 = tpu.memref_slice %arg12[%dma_wait3A_188, %dma_wait3A_192] : memref<8x128xi32, #tpu.memory_space<vmem>> -> memref<1x128xi32, #tpu.memory_space<vmem>>
    %dma_wait3A_194 = tpu.memref_squeeze %dma_wait3A_193 : memref<1x128xi32, #tpu.memory_space<vmem>> -> memref<128xi32, #tpu.memory_space<vmem>>
    %dma_wait3A_195 = arith.constant 0 : i32
    %dma_wait3A_196 = tpu.memref_slice %arg10[%dma_wait3A_195] : memref<100000xf32, #tpu.memory_space<vmem_shared>> -> memref<100000xf32, #tpu.memory_space<vmem_shared>>
    tpu.wait_indirect_dma semaphore(%arg22 : memref<!tpu.dma_semaphore, #tpu.memory_space<semaphore_mem>>) src(%dma_wait3A_191 : memref<128xf32, #tpu.memory_space<vmem>>) dst(%dma_wait3A_196 : memref<100000xf32, #tpu.memory_space<vmem_shared>>)
    %dma_wait3A_197 = arith.constant 4 : i32
    %dma_wait3A_198 = arith.constant 4 : i32
    %dma_wait3A_199 = arith.constant 0 : i32
    %dma_wait3A_200 = tpu.memref_slice %arg14[%dma_wait3A_197, %dma_wait3A_199] : memref<8x128xf32, #tpu.memory_space<vmem>> -> memref<1x128xf32, #tpu.memory_space<vmem>>
    %dma_wait3A_201 = tpu.memref_squeeze %dma_wait3A_200 : memref<1x128xf32, #tpu.memory_space<vmem>> -> memref<128xf32, #tpu.memory_space<vmem>>
    %dma_wait3A_202 = arith.constant 0 : i32
    %dma_wait3A_203 = tpu.memref_slice %arg12[%dma_wait3A_198, %dma_wait3A_202] : memref<8x128xi32, #tpu.memory_space<vmem>> -> memref<1x128xi32, #tpu.memory_space<vmem>>
    %dma_wait3A_204 = tpu.memref_squeeze %dma_wait3A_203 : memref<1x128xi32, #tpu.memory_space<vmem>> -> memref<128xi32, #tpu.memory_space<vmem>>
    %dma_wait3A_205 = arith.constant 0 : i32
    %dma_wait3A_206 = tpu.memref_slice %arg10[%dma_wait3A_205] : memref<100000xf32, #tpu.memory_space<vmem_shared>> -> memref<100000xf32, #tpu.memory_space<vmem_shared>>
    tpu.wait_indirect_dma semaphore(%arg22 : memref<!tpu.dma_semaphore, #tpu.memory_space<semaphore_mem>>) src(%dma_wait3A_201 : memref<128xf32, #tpu.memory_space<vmem>>) dst(%dma_wait3A_206 : memref<100000xf32, #tpu.memory_space<vmem_shared>>)
    %dma_wait3A_207 = arith.constant 5 : i32
    %dma_wait3A_208 = arith.constant 5 : i32
    %dma_wait3A_209 = arith.constant 0 : i32
    %dma_wait3A_210 = tpu.memref_slice %arg14[%dma_wait3A_207, %dma_wait3A_209] : memref<8x128xf32, #tpu.memory_space<vmem>> -> memref<1x128xf32, #tpu.memory_space<vmem>>
    %dma_wait3A_211 = tpu.memref_squeeze %dma_wait3A_210 : memref<1x128xf32, #tpu.memory_space<vmem>> -> memref<128xf32, #tpu.memory_space<vmem>>
    %dma_wait3A_212 = arith.constant 0 : i32
    %dma_wait3A_213 = tpu.memref_slice %arg12[%dma_wait3A_208, %dma_wait3A_212] : memref<8x128xi32, #tpu.memory_space<vmem>> -> memref<1x128xi32, #tpu.memory_space<vmem>>
    %dma_wait3A_214 = tpu.memref_squeeze %dma_wait3A_213 : memref<1x128xi32, #tpu.memory_space<vmem>> -> memref<128xi32, #tpu.memory_space<vmem>>
    %dma_wait3A_215 = arith.constant 0 : i32
    %dma_wait3A_216 = tpu.memref_slice %arg10[%dma_wait3A_215] : memref<100000xf32, #tpu.memory_space<vmem_shared>> -> memref<100000xf32, #tpu.memory_space<vmem_shared>>
    tpu.wait_indirect_dma semaphore(%arg22 : memref<!tpu.dma_semaphore, #tpu.memory_space<semaphore_mem>>) src(%dma_wait3A_211 : memref<128xf32, #tpu.memory_space<vmem>>) dst(%dma_wait3A_216 : memref<100000xf32, #tpu.memory_space<vmem_shared>>)
    %dma_wait3A_217 = arith.constant 6 : i32
    %dma_wait3A_218 = arith.constant 6 : i32
    %dma_wait3A_219 = arith.constant 0 : i32
    %dma_wait3A_220 = tpu.memref_slice %arg14[%dma_wait3A_217, %dma_wait3A_219] : memref<8x128xf32, #tpu.memory_space<vmem>> -> memref<1x128xf32, #tpu.memory_space<vmem>>
    %dma_wait3A_221 = tpu.memref_squeeze %dma_wait3A_220 : memref<1x128xf32, #tpu.memory_space<vmem>> -> memref<128xf32, #tpu.memory_space<vmem>>
    %dma_wait3A_222 = arith.constant 0 : i32
    %dma_wait3A_223 = tpu.memref_slice %arg12[%dma_wait3A_218, %dma_wait3A_222] : memref<8x128xi32, #tpu.memory_space<vmem>> -> memref<1x128xi32, #tpu.memory_space<vmem>>
    %dma_wait3A_224 = tpu.memref_squeeze %dma_wait3A_223 : memref<1x128xi32, #tpu.memory_space<vmem>> -> memref<128xi32, #tpu.memory_space<vmem>>
    %dma_wait3A_225 = arith.constant 0 : i32
    %dma_wait3A_226 = tpu.memref_slice %arg10[%dma_wait3A_225] : memref<100000xf32, #tpu.memory_space<vmem_shared>> -> memref<100000xf32, #tpu.memory_space<vmem_shared>>
    tpu.wait_indirect_dma semaphore(%arg22 : memref<!tpu.dma_semaphore, #tpu.memory_space<semaphore_mem>>) src(%dma_wait3A_221 : memref<128xf32, #tpu.memory_space<vmem>>) dst(%dma_wait3A_226 : memref<100000xf32, #tpu.memory_space<vmem_shared>>)
    %dma_wait3A_227 = arith.constant 7 : i32
    %dma_wait3A_228 = arith.constant 7 : i32
    %dma_wait3A_229 = arith.constant 0 : i32
    %dma_wait3A_230 = tpu.memref_slice %arg14[%dma_wait3A_227, %dma_wait3A_229] : memref<8x128xf32, #tpu.memory_space<vmem>> -> memref<1x128xf32, #tpu.memory_space<vmem>>
    %dma_wait3A_231 = tpu.memref_squeeze %dma_wait3A_230 : memref<1x128xf32, #tpu.memory_space<vmem>> -> memref<128xf32, #tpu.memory_space<vmem>>
    %dma_wait3A_232 = arith.constant 0 : i32
    %dma_wait3A_233 = tpu.memref_slice %arg12[%dma_wait3A_228, %dma_wait3A_232] : memref<8x128xi32, #tpu.memory_space<vmem>> -> memref<1x128xi32, #tpu.memory_space<vmem>>
    %dma_wait3A_234 = tpu.memref_squeeze %dma_wait3A_233 : memref<1x128xi32, #tpu.memory_space<vmem>> -> memref<128xi32, #tpu.memory_space<vmem>>
    %dma_wait3A_235 = arith.constant 0 : i32
    %dma_wait3A_236 = tpu.memref_slice %arg10[%dma_wait3A_235] : memref<100000xf32, #tpu.memory_space<vmem_shared>> -> memref<100000xf32, #tpu.memory_space<vmem_shared>>
    tpu.wait_indirect_dma semaphore(%arg22 : memref<!tpu.dma_semaphore, #tpu.memory_space<semaphore_mem>>) src(%dma_wait3A_231 : memref<128xf32, #tpu.memory_space<vmem>>) dst(%dma_wait3A_236 : memref<100000xf32, #tpu.memory_space<vmem_shared>>)
    %barrier3A_237 = arith.constant 0 : index
    tpu.barrier barrier_id(%barrier3A_237)
    "tpu.region"() ({
      %run_scoped3A = tpu.sem_alloc : memref<!tpu.dma_semaphore, #tpu.memory_space<semaphore_mem>>
      %dma_start3A_516 = tpu.memref_slice %arg10[%multiple_of3A] : memref<100000xf32, #tpu.memory_space<vmem_shared>> -> memref<6272xf32, #tpu.memory_space<vmem_shared>>
      %dma_start3A_517 = tpu.memref_slice %arg10[%multiple_of3A] : memref<100000xf32, #tpu.memory_space<vmem_shared>> -> memref<6272xf32, #tpu.memory_space<vmem_shared>>
      tpu.enqueue_dma source(%dma_start3A_517 : memref<6272xf32, #tpu.memory_space<vmem_shared>>) target(%arg11 : memref<6272xf32, #tpu.memory_space<vmem>>) target_semaphore(%run_scoped3A : memref<!tpu.dma_semaphore, #tpu.memory_space<semaphore_mem>>)
      %dma_wait3A_518 = tpu.memref_slice %arg10[%multiple_of3A] : memref<100000xf32, #tpu.memory_space<vmem_shared>> -> memref<6272xf32, #tpu.memory_space<vmem_shared>>
      %dma_wait3A_519 = tpu.memref_slice %arg10[%multiple_of3A] : memref<100000xf32, #tpu.memory_space<vmem_shared>> -> memref<6272xf32, #tpu.memory_space<vmem_shared>>
      tpu.wait_dma2 semaphore(%run_scoped3A : memref<!tpu.dma_semaphore, #tpu.memory_space<semaphore_mem>>) src(%dma_wait3A_519 : memref<6272xf32, #tpu.memory_space<vmem_shared>>) dst(%arg11 : memref<6272xf32, #tpu.memory_space<vmem>>)
      tpu.yield
    }) : () -> ()
    %broadcast_in_dim3A = arith.constant -3.000000e+38 : f32
    %broadcast_in_dim3A_238 = vector.broadcast %broadcast_in_dim3A : f32 to vector<16xf32>
    %broadcast_in_dim3A_239 = arith.constant 0 : i32
    %broadcast_in_dim3A_240 = vector.broadcast %broadcast_in_dim3A_239 : i32 to vector<16xi32>
    %scan3A_241 = arith.constant 0 : i32
    %scan3A_242 = arith.constant 392 : i32
    %scan3A_243 = arith.addi %scan3A_241, %scan3A_242 : i32
    %scan3A_244 = arith.constant 1 : i32
    %scan3A_245:2 = scf.for %scan3A_516 = %scan3A_241 to %scan3A_243 step %scan3A_244 iter_args(%scan3A_517 = %broadcast_in_dim3A_238, %scan3A_518 = %broadcast_in_dim3A_240) -> (vector<16xf32>, vector<16xi32>)  : i32 {
      %mul3A_519 = arith.constant 16 : i32
      %mul3A_520 = arith.muli %scan3A_516, %mul3A_519 : i32
      %get3A_521 = arith.index_cast %mul3A_520 : i32 to index
      %get3A_522 = tpu.vector_load %arg11[%get3A_521] {strides = array<i32>} : memref<6272xf32, #tpu.memory_space<vmem>>, vector<16xf32>,
      %gt3A = arith.cmpf ogt, %get3A_522, %scan3A_517 : vector<16xf32>
      %select_n3A_523 = arith.select %gt3A, %get3A_522, %scan3A_517 : vector<16xi1>, vector<16xf32>
      %broadcast_in_dim3A_524 = vector.broadcast %scan3A_516 : i32 to vector<16xi32>
      %select_n3A_525 = arith.select %gt3A, %broadcast_in_dim3A_524, %scan3A_518 : vector<16xi1>, vector<16xi32>
      scf.yield %select_n3A_523, %select_n3A_525 : vector<16xf32>, vector<16xi32>
    }
    %scan3A_246 = arith.constant 392 : i32
    %mul3A_247 = arith.constant 16 : i32
    %mul3A_248 = vector.broadcast %mul3A_247 : i32 to vector<16xi32>
    %mul3A_249 = arith.muli %scan3A_245#1, %mul3A_248 : vector<16xi32>
    %add3A = arith.addi %mul3A_249, %iota3A : vector<16xi32>
    %add3A_250 = vector.broadcast %multiple_of3A : i32 to vector<16xi32>
    %add3A_251 = arith.addi %add3A, %add3A_250 : vector<16xi32>
    %reduce_max3A = arith.constant true
    %reduce_max3A_252 = vector.broadcast %reduce_max3A : i1 to vector<16xi1>
    %reduce_max3A_253 = tpu.scan <max>, %scan3A_245#0 masked %reduce_max3A_252 : vector<16xf32>, vector<16xi1> -> vector<16xf32>
    %reduce_max3A_254 = vector.extract %reduce_max3A_253[15] : f32 from vector<16xf32>
    %eq3A = vector.broadcast %reduce_max3A_254 : f32 to vector<16xf32>
    %eq3A_255 = arith.cmpf oeq, %scan3A_245#0, %eq3A : vector<16xf32>
    %jit3A = arith.constant 2147483647 : i32
    %broadcast_in_dim3A_256 = vector.broadcast %jit3A : i32 to vector<16xi32>
    %select_n3A = arith.select %eq3A_255, %add3A_251, %broadcast_in_dim3A_256 : vector<16xi1>, vector<16xi32>
    %reduce_min3A = arith.constant true
    %reduce_min3A_257 = vector.broadcast %reduce_min3A : i1 to vector<16xi1>
    %reduce_min3A_258 = arith.constant -2147483648 : i32
    %reduce_min3A_259 = vector.broadcast %reduce_min3A_258 : i32 to vector<16xi32>
    %reduce_min3A_260 = arith.xori %select_n3A, %reduce_min3A_259 : vector<16xi32>
    %reduce_min3A_261 = tpu.scan <min>, %reduce_min3A_260 masked %reduce_min3A_257 : vector<16xi32>, vector<16xi1> -> vector<16xi32>
    %reduce_min3A_262 = arith.xori %reduce_min3A_261, %reduce_min3A_259 : vector<16xi32>
    %reduce_min3A_263 = vector.extract %reduce_min3A_262[15] : i32 from vector<16xi32>
    %dma_start3A_264 = tpu.memref_slice %arg5[%multiple_of3A] : memref<100000xf32, #tpu.memory_space<hbm>> -> memref<6272xf32, #tpu.memory_space<hbm>>
    %dma_start3A_265 = tpu.memref_slice %arg5[%multiple_of3A] : memref<100000xf32, #tpu.memory_space<hbm>> -> memref<6272xf32, #tpu.memory_space<hbm>>
    tpu.enqueue_dma source(%arg11 : memref<6272xf32, #tpu.memory_space<vmem>>) target(%dma_start3A_265 : memref<6272xf32, #tpu.memory_space<hbm>>) target_semaphore(%arg20 : memref<!tpu.dma_semaphore, #tpu.memory_space<semaphore_mem>>)
    %eq3A_266 = vector.broadcast %arg1 : i32 to vector<16xi32>
    %eq3A_267 = arith.cmpi eq, %iota3A, %eq3A_266 : vector<16xi32>
    %jit3A_268 = arith.constant -3.000000e+38 : f32
    %broadcast_in_dim3A_269 = vector.broadcast %reduce_max3A_254 : f32 to vector<16xf32>
    %broadcast_in_dim3A_270 = vector.broadcast %jit3A_268 : f32 to vector<16xf32>
    %select_n3A_271 = arith.select %eq3A_267, %broadcast_in_dim3A_269, %broadcast_in_dim3A_270 : vector<16xi1>, vector<16xf32>
    %swap3A = arith.constant 0 : index
    %swap3A_272 = tpu.vector_load %arg15[%swap3A] {strides = array<i32>} : memref<16xf32, #tpu.memory_space<vmem>>, vector<16xf32>,
    tpu.vector_store %arg15[%swap3A], %select_n3A_271 {strides = array<i32>} : memref<16xf32, #tpu.memory_space<vmem>>, vector<16xf32>,
    %eq3A_273 = vector.broadcast %arg1 : i32 to vector<16xi32>
    %eq3A_274 = arith.cmpi eq, %iota3A, %eq3A_273 : vector<16xi32>
    %jit3A_275 = arith.constant 2147483647 : i32
    %broadcast_in_dim3A_276 = vector.broadcast %reduce_min3A_263 : i32 to vector<16xi32>
    %broadcast_in_dim3A_277 = vector.broadcast %jit3A_275 : i32 to vector<16xi32>
    %select_n3A_278 = arith.select %eq3A_274, %broadcast_in_dim3A_276, %broadcast_in_dim3A_277 : vector<16xi1>, vector<16xi32>
    %swap3A_279 = arith.constant 0 : index
    %swap3A_280 = tpu.vector_load %arg16[%swap3A_279] {strides = array<i32>} : memref<16xi32, #tpu.memory_space<vmem>>, vector<16xi32>,
    tpu.vector_store %arg16[%swap3A_279], %select_n3A_278 {strides = array<i32>} : memref<16xi32, #tpu.memory_space<vmem>>, vector<16xi32>,
    "tpu.region"() ({
      %run_scoped3A = tpu.sem_alloc : memref<!tpu.dma_semaphore, #tpu.memory_space<semaphore_mem>>
      %dma_start3A_516 = arith.constant 0 : i32
      %dma_start3A_517 = tpu.memref_slice %arg8[%arg1, %dma_start3A_516] : memref<16x16xf32, #tpu.memory_space<hbm>> -> memref<1x16xf32, #tpu.memory_space<hbm>>
      %dma_start3A_518 = tpu.memref_squeeze %dma_start3A_517 : memref<1x16xf32, #tpu.memory_space<hbm>> -> memref<16xf32, #tpu.memory_space<hbm>>
      %dma_start3A_519 = arith.constant 0 : i32
      %dma_start3A_520 = tpu.memref_slice %arg8[%arg1, %dma_start3A_519] : memref<16x16xf32, #tpu.memory_space<hbm>> -> memref<1x16xf32, #tpu.memory_space<hbm>>
      %dma_start3A_521 = tpu.memref_squeeze %dma_start3A_520 : memref<1x16xf32, #tpu.memory_space<hbm>> -> memref<16xf32, #tpu.memory_space<hbm>>
      tpu.enqueue_dma source(%arg15 : memref<16xf32, #tpu.memory_space<vmem>>) target(%dma_start3A_521 : memref<16xf32, #tpu.memory_space<hbm>>) target_semaphore(%run_scoped3A : memref<!tpu.dma_semaphore, #tpu.memory_space<semaphore_mem>>)
      %dma_wait3A_522 = arith.constant 0 : i32
      %dma_wait3A_523 = tpu.memref_slice %arg8[%arg1, %dma_wait3A_522] : memref<16x16xf32, #tpu.memory_space<hbm>> -> memref<1x16xf32, #tpu.memory_space<hbm>>
      %dma_wait3A_524 = tpu.memref_squeeze %dma_wait3A_523 : memref<1x16xf32, #tpu.memory_space<hbm>> -> memref<16xf32, #tpu.memory_space<hbm>>
      %dma_wait3A_525 = arith.constant 0 : i32
      %dma_wait3A_526 = tpu.memref_slice %arg8[%arg1, %dma_wait3A_525] : memref<16x16xf32, #tpu.memory_space<hbm>> -> memref<1x16xf32, #tpu.memory_space<hbm>>
      %dma_wait3A_527 = tpu.memref_squeeze %dma_wait3A_526 : memref<1x16xf32, #tpu.memory_space<hbm>> -> memref<16xf32, #tpu.memory_space<hbm>>
      tpu.wait_dma2 semaphore(%run_scoped3A : memref<!tpu.dma_semaphore, #tpu.memory_space<semaphore_mem>>) src(%arg15 : memref<16xf32, #tpu.memory_space<vmem>>) dst(%dma_wait3A_527 : memref<16xf32, #tpu.memory_space<hbm>>)
      tpu.yield
    }) : () -> ()
    "tpu.region"() ({
      %run_scoped3A = tpu.sem_alloc : memref<!tpu.dma_semaphore, #tpu.memory_space<semaphore_mem>>
      %dma_start3A_516 = arith.constant 0 : i32
      %dma_start3A_517 = tpu.memref_slice %arg9[%arg1, %dma_start3A_516] : memref<16x16xi32, #tpu.memory_space<hbm>> -> memref<1x16xi32, #tpu.memory_space<hbm>>
      %dma_start3A_518 = tpu.memref_squeeze %dma_start3A_517 : memref<1x16xi32, #tpu.memory_space<hbm>> -> memref<16xi32, #tpu.memory_space<hbm>>
      %dma_start3A_519 = arith.constant 0 : i32
      %dma_start3A_520 = tpu.memref_slice %arg9[%arg1, %dma_start3A_519] : memref<16x16xi32, #tpu.memory_space<hbm>> -> memref<1x16xi32, #tpu.memory_space<hbm>>
      %dma_start3A_521 = tpu.memref_squeeze %dma_start3A_520 : memref<1x16xi32, #tpu.memory_space<hbm>> -> memref<16xi32, #tpu.memory_space<hbm>>
      tpu.enqueue_dma source(%arg16 : memref<16xi32, #tpu.memory_space<vmem>>) target(%dma_start3A_521 : memref<16xi32, #tpu.memory_space<hbm>>) target_semaphore(%run_scoped3A : memref<!tpu.dma_semaphore, #tpu.memory_space<semaphore_mem>>)
      %dma_wait3A_522 = arith.constant 0 : i32
      %dma_wait3A_523 = tpu.memref_slice %arg9[%arg1, %dma_wait3A_522] : memref<16x16xi32, #tpu.memory_space<hbm>> -> memref<1x16xi32, #tpu.memory_space<hbm>>
      %dma_wait3A_524 = tpu.memref_squeeze %dma_wait3A_523 : memref<1x16xi32, #tpu.memory_space<hbm>> -> memref<16xi32, #tpu.memory_space<hbm>>
      %dma_wait3A_525 = arith.constant 0 : i32
      %dma_wait3A_526 = tpu.memref_slice %arg9[%arg1, %dma_wait3A_525] : memref<16x16xi32, #tpu.memory_space<hbm>> -> memref<1x16xi32, #tpu.memory_space<hbm>>
      %dma_wait3A_527 = tpu.memref_squeeze %dma_wait3A_526 : memref<1x16xi32, #tpu.memory_space<hbm>> -> memref<16xi32, #tpu.memory_space<hbm>>
      tpu.wait_dma2 semaphore(%run_scoped3A : memref<!tpu.dma_semaphore, #tpu.memory_space<semaphore_mem>>) src(%arg16 : memref<16xi32, #tpu.memory_space<vmem>>) dst(%dma_wait3A_527 : memref<16xi32, #tpu.memory_space<hbm>>)
      tpu.yield
    }) : () -> ()
    %barrier3A_281 = arith.constant 0 : index
    tpu.barrier barrier_id(%barrier3A_281)
    "tpu.region"() ({
      %run_scoped3A = tpu.sem_alloc : memref<!tpu.dma_semaphore, #tpu.memory_space<semaphore_mem>>
      tpu.enqueue_dma source(%arg8 : memref<16x16xf32, #tpu.memory_space<hbm>>) target(%arg17 : memref<16x16xf32, #tpu.memory_space<vmem>>) target_semaphore(%run_scoped3A : memref<!tpu.dma_semaphore, #tpu.memory_space<semaphore_mem>>)
      tpu.wait_dma2 semaphore(%run_scoped3A : memref<!tpu.dma_semaphore, #tpu.memory_space<semaphore_mem>>) src(%arg8 : memref<16x16xf32, #tpu.memory_space<hbm>>) dst(%arg17 : memref<16x16xf32, #tpu.memory_space<vmem>>)
      tpu.yield
    }) : () -> ()
    "tpu.region"() ({
      %run_scoped3A = tpu.sem_alloc : memref<!tpu.dma_semaphore, #tpu.memory_space<semaphore_mem>>
      tpu.enqueue_dma source(%arg9 : memref<16x16xi32, #tpu.memory_space<hbm>>) target(%arg18 : memref<16x16xi32, #tpu.memory_space<vmem>>) target_semaphore(%run_scoped3A : memref<!tpu.dma_semaphore, #tpu.memory_space<semaphore_mem>>)
      tpu.wait_dma2 semaphore(%run_scoped3A : memref<!tpu.dma_semaphore, #tpu.memory_space<semaphore_mem>>) src(%arg9 : memref<16x16xi32, #tpu.memory_space<hbm>>) dst(%arg18 : memref<16x16xi32, #tpu.memory_space<vmem>>)
      tpu.yield
    }) : () -> ()
    %get3A = arith.constant 0 : i32
    %get3A_282 = arith.index_cast %get3A : i32 to index
    %get3A_283 = arith.constant 0 : index
    %get3A_284 = tpu.vector_load %arg17[%get3A_282, %get3A_283] {strides = array<i32>} : memref<16x16xf32, #tpu.memory_space<vmem>>, vector<16xf32>,
    %get3A_285 = arith.constant 0 : i32
    %get3A_286 = arith.index_cast %get3A_285 : i32 to index
    %get3A_287 = arith.constant 0 : index
    %get3A_288 = tpu.vector_load %arg18[%get3A_286, %get3A_287] {strides = array<i32>} : memref<16x16xi32, #tpu.memory_space<vmem>>, vector<16xi32>,
    %get3A_289 = arith.constant 1 : i32
    %get3A_290 = arith.index_cast %get3A_289 : i32 to index
    %get3A_291 = arith.constant 0 : index
    %get3A_292 = tpu.vector_load %arg17[%get3A_290, %get3A_291] {strides = array<i32>} : memref<16x16xf32, #tpu.memory_space<vmem>>, vector<16xf32>,
    %max3A = arith.maximumf %get3A_284, %get3A_292 : vector<16xf32>
    %get3A_293 = arith.constant 1 : i32
    %get3A_294 = arith.index_cast %get3A_293 : i32 to index
    %get3A_295 = arith.constant 0 : index
    %get3A_296 = tpu.vector_load %arg18[%get3A_294, %get3A_295] {strides = array<i32>} : memref<16x16xi32, #tpu.memory_space<vmem>>, vector<16xi32>,
    %min3A_297 = arith.minsi %get3A_288, %get3A_296 : vector<16xi32>
    %get3A_298 = arith.constant 2 : i32
    %get3A_299 = arith.index_cast %get3A_298 : i32 to index
    %get3A_300 = arith.constant 0 : index
    %get3A_301 = tpu.vector_load %arg17[%get3A_299, %get3A_300] {strides = array<i32>} : memref<16x16xf32, #tpu.memory_space<vmem>>, vector<16xf32>,
    %max3A_302 = arith.maximumf %max3A, %get3A_301 : vector<16xf32>
    %get3A_303 = arith.constant 2 : i32
    %get3A_304 = arith.index_cast %get3A_303 : i32 to index
    %get3A_305 = arith.constant 0 : index
    %get3A_306 = tpu.vector_load %arg18[%get3A_304, %get3A_305] {strides = array<i32>} : memref<16x16xi32, #tpu.memory_space<vmem>>, vector<16xi32>,
    %min3A_307 = arith.minsi %min3A_297, %get3A_306 : vector<16xi32>
    %get3A_308 = arith.constant 3 : i32
    %get3A_309 = arith.index_cast %get3A_308 : i32 to index
    %get3A_310 = arith.constant 0 : index
    %get3A_311 = tpu.vector_load %arg17[%get3A_309, %get3A_310] {strides = array<i32>} : memref<16x16xf32, #tpu.memory_space<vmem>>, vector<16xf32>,
    %max3A_312 = arith.maximumf %max3A_302, %get3A_311 : vector<16xf32>
    %get3A_313 = arith.constant 3 : i32
    %get3A_314 = arith.index_cast %get3A_313 : i32 to index
    %get3A_315 = arith.constant 0 : index
    %get3A_316 = tpu.vector_load %arg18[%get3A_314, %get3A_315] {strides = array<i32>} : memref<16x16xi32, #tpu.memory_space<vmem>>, vector<16xi32>,
    %min3A_317 = arith.minsi %min3A_307, %get3A_316 : vector<16xi32>
    %get3A_318 = arith.constant 4 : i32
    %get3A_319 = arith.index_cast %get3A_318 : i32 to index
    %get3A_320 = arith.constant 0 : index
    %get3A_321 = tpu.vector_load %arg17[%get3A_319, %get3A_320] {strides = array<i32>} : memref<16x16xf32, #tpu.memory_space<vmem>>, vector<16xf32>,
    %max3A_322 = arith.maximumf %max3A_312, %get3A_321 : vector<16xf32>
    %get3A_323 = arith.constant 4 : i32
    %get3A_324 = arith.index_cast %get3A_323 : i32 to index
    %get3A_325 = arith.constant 0 : index
    %get3A_326 = tpu.vector_load %arg18[%get3A_324, %get3A_325] {strides = array<i32>} : memref<16x16xi32, #tpu.memory_space<vmem>>, vector<16xi32>,
    %min3A_327 = arith.minsi %min3A_317, %get3A_326 : vector<16xi32>
    %get3A_328 = arith.constant 5 : i32
    %get3A_329 = arith.index_cast %get3A_328 : i32 to index
    %get3A_330 = arith.constant 0 : index
    %get3A_331 = tpu.vector_load %arg17[%get3A_329, %get3A_330] {strides = array<i32>} : memref<16x16xf32, #tpu.memory_space<vmem>>, vector<16xf32>,
    %max3A_332 = arith.maximumf %max3A_322, %get3A_331 : vector<16xf32>
    %get3A_333 = arith.constant 5 : i32
    %get3A_334 = arith.index_cast %get3A_333 : i32 to index
    %get3A_335 = arith.constant 0 : index
    %get3A_336 = tpu.vector_load %arg18[%get3A_334, %get3A_335] {strides = array<i32>} : memref<16x16xi32, #tpu.memory_space<vmem>>, vector<16xi32>,
    %min3A_337 = arith.minsi %min3A_327, %get3A_336 : vector<16xi32>
    %get3A_338 = arith.constant 6 : i32
    %get3A_339 = arith.index_cast %get3A_338 : i32 to index
    %get3A_340 = arith.constant 0 : index
    %get3A_341 = tpu.vector_load %arg17[%get3A_339, %get3A_340] {strides = array<i32>} : memref<16x16xf32, #tpu.memory_space<vmem>>, vector<16xf32>,
    %max3A_342 = arith.maximumf %max3A_332, %get3A_341 : vector<16xf32>
    %get3A_343 = arith.constant 6 : i32
    %get3A_344 = arith.index_cast %get3A_343 : i32 to index
    %get3A_345 = arith.constant 0 : index
    %get3A_346 = tpu.vector_load %arg18[%get3A_344, %get3A_345] {strides = array<i32>} : memref<16x16xi32, #tpu.memory_space<vmem>>, vector<16xi32>,
    %min3A_347 = arith.minsi %min3A_337, %get3A_346 : vector<16xi32>
    %get3A_348 = arith.constant 7 : i32
    %get3A_349 = arith.index_cast %get3A_348 : i32 to index
    %get3A_350 = arith.constant 0 : index
    %get3A_351 = tpu.vector_load %arg17[%get3A_349, %get3A_350] {strides = array<i32>} : memref<16x16xf32, #tpu.memory_space<vmem>>, vector<16xf32>,
    %max3A_352 = arith.maximumf %max3A_342, %get3A_351 : vector<16xf32>
    %get3A_353 = arith.constant 7 : i32
    %get3A_354 = arith.index_cast %get3A_353 : i32 to index
    %get3A_355 = arith.constant 0 : index
    %get3A_356 = tpu.vector_load %arg18[%get3A_354, %get3A_355] {strides = array<i32>} : memref<16x16xi32, #tpu.memory_space<vmem>>, vector<16xi32>,
    %min3A_357 = arith.minsi %min3A_347, %get3A_356 : vector<16xi32>
    %get3A_358 = arith.constant 8 : i32
    %get3A_359 = arith.index_cast %get3A_358 : i32 to index
    %get3A_360 = arith.constant 0 : index
    %get3A_361 = tpu.vector_load %arg17[%get3A_359, %get3A_360] {strides = array<i32>} : memref<16x16xf32, #tpu.memory_space<vmem>>, vector<16xf32>,
    %max3A_362 = arith.maximumf %max3A_352, %get3A_361 : vector<16xf32>
    %get3A_363 = arith.constant 8 : i32
    %get3A_364 = arith.index_cast %get3A_363 : i32 to index
    %get3A_365 = arith.constant 0 : index
    %get3A_366 = tpu.vector_load %arg18[%get3A_364, %get3A_365] {strides = array<i32>} : memref<16x16xi32, #tpu.memory_space<vmem>>, vector<16xi32>,
    %min3A_367 = arith.minsi %min3A_357, %get3A_366 : vector<16xi32>
    %get3A_368 = arith.constant 9 : i32
    %get3A_369 = arith.index_cast %get3A_368 : i32 to index
    %get3A_370 = arith.constant 0 : index
    %get3A_371 = tpu.vector_load %arg17[%get3A_369, %get3A_370] {strides = array<i32>} : memref<16x16xf32, #tpu.memory_space<vmem>>, vector<16xf32>,
    %max3A_372 = arith.maximumf %max3A_362, %get3A_371 : vector<16xf32>
    %get3A_373 = arith.constant 9 : i32
    %get3A_374 = arith.index_cast %get3A_373 : i32 to index
    %get3A_375 = arith.constant 0 : index
    %get3A_376 = tpu.vector_load %arg18[%get3A_374, %get3A_375] {strides = array<i32>} : memref<16x16xi32, #tpu.memory_space<vmem>>, vector<16xi32>,
    %min3A_377 = arith.minsi %min3A_367, %get3A_376 : vector<16xi32>
    %get3A_378 = arith.constant 10 : i32
    %get3A_379 = arith.index_cast %get3A_378 : i32 to index
    %get3A_380 = arith.constant 0 : index
    %get3A_381 = tpu.vector_load %arg17[%get3A_379, %get3A_380] {strides = array<i32>} : memref<16x16xf32, #tpu.memory_space<vmem>>, vector<16xf32>,
    %max3A_382 = arith.maximumf %max3A_372, %get3A_381 : vector<16xf32>
    %get3A_383 = arith.constant 10 : i32
    %get3A_384 = arith.index_cast %get3A_383 : i32 to index
    %get3A_385 = arith.constant 0 : index
    %get3A_386 = tpu.vector_load %arg18[%get3A_384, %get3A_385] {strides = array<i32>} : memref<16x16xi32, #tpu.memory_space<vmem>>, vector<16xi32>,
    %min3A_387 = arith.minsi %min3A_377, %get3A_386 : vector<16xi32>
    %get3A_388 = arith.constant 11 : i32
    %get3A_389 = arith.index_cast %get3A_388 : i32 to index
    %get3A_390 = arith.constant 0 : index
    %get3A_391 = tpu.vector_load %arg17[%get3A_389, %get3A_390] {strides = array<i32>} : memref<16x16xf32, #tpu.memory_space<vmem>>, vector<16xf32>,
    %max3A_392 = arith.maximumf %max3A_382, %get3A_391 : vector<16xf32>
    %get3A_393 = arith.constant 11 : i32
    %get3A_394 = arith.index_cast %get3A_393 : i32 to index
    %get3A_395 = arith.constant 0 : index
    %get3A_396 = tpu.vector_load %arg18[%get3A_394, %get3A_395] {strides = array<i32>} : memref<16x16xi32, #tpu.memory_space<vmem>>, vector<16xi32>,
    %min3A_397 = arith.minsi %min3A_387, %get3A_396 : vector<16xi32>
    %get3A_398 = arith.constant 12 : i32
    %get3A_399 = arith.index_cast %get3A_398 : i32 to index
    %get3A_400 = arith.constant 0 : index
    %get3A_401 = tpu.vector_load %arg17[%get3A_399, %get3A_400] {strides = array<i32>} : memref<16x16xf32, #tpu.memory_space<vmem>>, vector<16xf32>,
    %max3A_402 = arith.maximumf %max3A_392, %get3A_401 : vector<16xf32>
    %get3A_403 = arith.constant 12 : i32
    %get3A_404 = arith.index_cast %get3A_403 : i32 to index
    %get3A_405 = arith.constant 0 : index
    %get3A_406 = tpu.vector_load %arg18[%get3A_404, %get3A_405] {strides = array<i32>} : memref<16x16xi32, #tpu.memory_space<vmem>>, vector<16xi32>,
    %min3A_407 = arith.minsi %min3A_397, %get3A_406 : vector<16xi32>
    %get3A_408 = arith.constant 13 : i32
    %get3A_409 = arith.index_cast %get3A_408 : i32 to index
    %get3A_410 = arith.constant 0 : index
    %get3A_411 = tpu.vector_load %arg17[%get3A_409, %get3A_410] {strides = array<i32>} : memref<16x16xf32, #tpu.memory_space<vmem>>, vector<16xf32>,
    %max3A_412 = arith.maximumf %max3A_402, %get3A_411 : vector<16xf32>
    %get3A_413 = arith.constant 13 : i32
    %get3A_414 = arith.index_cast %get3A_413 : i32 to index
    %get3A_415 = arith.constant 0 : index
    %get3A_416 = tpu.vector_load %arg18[%get3A_414, %get3A_415] {strides = array<i32>} : memref<16x16xi32, #tpu.memory_space<vmem>>, vector<16xi32>,
    %min3A_417 = arith.minsi %min3A_407, %get3A_416 : vector<16xi32>
    %get3A_418 = arith.constant 14 : i32
    %get3A_419 = arith.index_cast %get3A_418 : i32 to index
    %get3A_420 = arith.constant 0 : index
    %get3A_421 = tpu.vector_load %arg17[%get3A_419, %get3A_420] {strides = array<i32>} : memref<16x16xf32, #tpu.memory_space<vmem>>, vector<16xf32>,
    %max3A_422 = arith.maximumf %max3A_412, %get3A_421 : vector<16xf32>
    %get3A_423 = arith.constant 14 : i32
    %get3A_424 = arith.index_cast %get3A_423 : i32 to index
    %get3A_425 = arith.constant 0 : index
    %get3A_426 = tpu.vector_load %arg18[%get3A_424, %get3A_425] {strides = array<i32>} : memref<16x16xi32, #tpu.memory_space<vmem>>, vector<16xi32>,
    %min3A_427 = arith.minsi %min3A_417, %get3A_426 : vector<16xi32>
    %get3A_428 = arith.constant 15 : i32
    %get3A_429 = arith.index_cast %get3A_428 : i32 to index
    %get3A_430 = arith.constant 0 : index
    %get3A_431 = tpu.vector_load %arg17[%get3A_429, %get3A_430] {strides = array<i32>} : memref<16x16xf32, #tpu.memory_space<vmem>>, vector<16xf32>,
    %max3A_432 = arith.maximumf %max3A_422, %get3A_431 : vector<16xf32>
    %get3A_433 = arith.constant 15 : i32
    %get3A_434 = arith.index_cast %get3A_433 : i32 to index
    %get3A_435 = arith.constant 0 : index
    %get3A_436 = tpu.vector_load %arg18[%get3A_434, %get3A_435] {strides = array<i32>} : memref<16x16xi32, #tpu.memory_space<vmem>>, vector<16xi32>,
    %min3A_437 = arith.minsi %min3A_427, %get3A_436 : vector<16xi32>
    %reduce_max3A_438 = arith.constant true
    %reduce_max3A_439 = vector.broadcast %reduce_max3A_438 : i1 to vector<16xi1>
    %reduce_max3A_440 = tpu.scan <max>, %max3A_432 masked %reduce_max3A_439 : vector<16xf32>, vector<16xi1> -> vector<16xf32>
    %reduce_max3A_441 = vector.extract %reduce_max3A_440[15] : f32 from vector<16xf32>
    %eq3A_442 = vector.broadcast %reduce_max3A_441 : f32 to vector<16xf32>
    %eq3A_443 = arith.cmpf oeq, %max3A_432, %eq3A_442 : vector<16xf32>
    %jit3A_444 = arith.constant 2147483647 : i32
    %broadcast_in_dim3A_445 = vector.broadcast %jit3A_444 : i32 to vector<16xi32>
    %select_n3A_446 = arith.select %eq3A_443, %min3A_437, %broadcast_in_dim3A_445 : vector<16xi1>, vector<16xi32>
    %reduce_min3A_447 = arith.constant true
    %reduce_min3A_448 = vector.broadcast %reduce_min3A_447 : i1 to vector<16xi1>
    %reduce_min3A_449 = arith.constant -2147483648 : i32
    %reduce_min3A_450 = vector.broadcast %reduce_min3A_449 : i32 to vector<16xi32>
    %reduce_min3A_451 = arith.xori %select_n3A_446, %reduce_min3A_450 : vector<16xi32>
    %reduce_min3A_452 = tpu.scan <min>, %reduce_min3A_451 masked %reduce_min3A_448 : vector<16xi32>, vector<16xi1> -> vector<16xi32>
    %reduce_min3A_453 = arith.xori %reduce_min3A_452, %reduce_min3A_450 : vector<16xi32>
    %reduce_min3A_454 = vector.extract %reduce_min3A_453[15] : i32 from vector<16xi32>
    %scan3A_455 = arith.constant 0 : i32
    %scan3A_456 = arith.constant 0 : i32
    %scan3A_457 = arith.constant 8 : i32
    %scan3A_458 = arith.addi %scan3A_456, %scan3A_457 : i32
    %scan3A_459 = arith.constant 1 : i32
    %scan3A_460 = scf.for %scan3A_516 = %scan3A_456 to %scan3A_458 step %scan3A_459 iter_args(%scan3A_517 = %scan3A_455) -> (i32)  : i32 {
      %mul3A_518 = arith.constant 16 : i32
      %mul3A_519 = arith.muli %scan3A_516, %mul3A_518 : i32
      %get3A_520 = arith.constant 0 : i32
      %get3A_521 = arith.index_cast %get3A_520 : i32 to index
      %get3A_522 = arith.index_cast %mul3A_519 : i32 to index
      %get3A_523 = tpu.vector_load %arg12[%get3A_521, %get3A_522] {strides = array<i32>} : memref<8x128xi32, #tpu.memory_space<vmem>>, vector<16xi32>,
      %mul3A_524 = arith.constant 16 : i32
      %mul3A_525 = arith.muli %scan3A_516, %mul3A_524 : i32
      %get3A_526 = arith.constant 0 : i32
      %get3A_527 = arith.index_cast %get3A_526 : i32 to index
      %get3A_528 = arith.index_cast %mul3A_525 : i32 to index
      %get3A_529 = tpu.vector_load %arg13[%get3A_527, %get3A_528] {strides = array<i32>} : memref<8x128xf32, #tpu.memory_space<vmem>>, vector<16xf32>,
      %mul3A_530 = arith.constant 0.899999976 : f32
      %mul3A_531 = vector.broadcast %mul3A_530 : f32 to vector<16xf32>
      %mul3A_532 = arith.mulf %get3A_529, %mul3A_531 : vector<16xf32>
      %eq3A_533 = vector.broadcast %reduce_min3A_454 : i32 to vector<16xi32>
      %eq3A_534 = arith.cmpi eq, %get3A_523, %eq3A_533 : vector<16xi32>
      %jit3A_535 = arith.constant 1.000000e+00 : f32
      %jit3A_536 = arith.constant 0.000000e+00 : f32
      %broadcast_in_dim3A_537 = vector.broadcast %jit3A_535 : f32 to vector<16xf32>
      %broadcast_in_dim3A_538 = vector.broadcast %jit3A_536 : f32 to vector<16xf32>
      %select_n3A_539 = arith.select %eq3A_534, %broadcast_in_dim3A_537, %broadcast_in_dim3A_538 : vector<16xi1>, vector<16xf32>
      %add3A_540 = arith.addf %mul3A_532, %select_n3A_539 : vector<16xf32>
      %mul3A_541 = arith.constant 16 : i32
      %mul3A_542 = arith.muli %scan3A_516, %mul3A_541 : i32
      %swap3A_543 = arith.constant 0 : i32
      %swap3A_544 = arith.index_cast %swap3A_543 : i32 to index
      %swap3A_545 = arith.index_cast %mul3A_542 : i32 to index
      %swap3A_546 = tpu.vector_load %arg19[%swap3A_544, %swap3A_545] {strides = array<i32>} : memref<8x128xf32, #tpu.memory_space<vmem>>, vector<16xf32>,
      tpu.vector_store %arg19[%swap3A_544, %swap3A_545], %add3A_540 {strides = array<i32>} : memref<8x128xf32, #tpu.memory_space<vmem>>, vector<16xf32>,
      %scan3A_547 = arith.constant 0 : i32
      scf.yield %scan3A_547 : i32
    }
    %scan3A_461 = arith.constant 8 : i32
    %scan3A_462 = arith.constant 0 : i32
    %scan3A_463 = arith.constant 0 : i32
    %scan3A_464 = arith.constant 8 : i32
    %scan3A_465 = arith.addi %scan3A_463, %scan3A_464 : i32
    %scan3A_466 = arith.constant 1 : i32
    %scan3A_467 = scf.for %scan3A_516 = %scan3A_463 to %scan3A_465 step %scan3A_466 iter_args(%scan3A_517 = %scan3A_462) -> (i32)  : i32 {
      %mul3A_518 = arith.constant 16 : i32
      %mul3A_519 = arith.muli %scan3A_516, %mul3A_518 : i32
      %get3A_520 = arith.constant 1 : i32
      %get3A_521 = arith.index_cast %get3A_520 : i32 to index
      %get3A_522 = arith.index_cast %mul3A_519 : i32 to index
      %get3A_523 = tpu.vector_load %arg12[%get3A_521, %get3A_522] {strides = array<i32>} : memref<8x128xi32, #tpu.memory_space<vmem>>, vector<16xi32>,
      %mul3A_524 = arith.constant 16 : i32
      %mul3A_525 = arith.muli %scan3A_516, %mul3A_524 : i32
      %get3A_526 = arith.constant 1 : i32
      %get3A_527 = arith.index_cast %get3A_526 : i32 to index
      %get3A_528 = arith.index_cast %mul3A_525 : i32 to index
      %get3A_529 = tpu.vector_load %arg13[%get3A_527, %get3A_528] {strides = array<i32>} : memref<8x128xf32, #tpu.memory_space<vmem>>, vector<16xf32>,
      %mul3A_530 = arith.constant 0.899999976 : f32
      %mul3A_531 = vector.broadcast %mul3A_530 : f32 to vector<16xf32>
      %mul3A_532 = arith.mulf %get3A_529, %mul3A_531 : vector<16xf32>
      %eq3A_533 = vector.broadcast %reduce_min3A_454 : i32 to vector<16xi32>
      %eq3A_534 = arith.cmpi eq, %get3A_523, %eq3A_533 : vector<16xi32>
      %jit3A_535 = arith.constant 1.000000e+00 : f32
      %jit3A_536 = arith.constant 0.000000e+00 : f32
      %broadcast_in_dim3A_537 = vector.broadcast %jit3A_535 : f32 to vector<16xf32>
      %broadcast_in_dim3A_538 = vector.broadcast %jit3A_536 : f32 to vector<16xf32>
      %select_n3A_539 = arith.select %eq3A_534, %broadcast_in_dim3A_537, %broadcast_in_dim3A_538 : vector<16xi1>, vector<16xf32>
      %add3A_540 = arith.addf %mul3A_532, %select_n3A_539 : vector<16xf32>
      %mul3A_541 = arith.constant 16 : i32
      %mul3A_542 = arith.muli %scan3A_516, %mul3A_541 : i32
      %swap3A_543 = arith.constant 1 : i32
      %swap3A_544 = arith.index_cast %swap3A_543 : i32 to index
      %swap3A_545 = arith.index_cast %mul3A_542 : i32 to index
      %swap3A_546 = tpu.vector_load %arg19[%swap3A_544, %swap3A_545] {strides = array<i32>} : memref<8x128xf32, #tpu.memory_space<vmem>>, vector<16xf32>,
      tpu.vector_store %arg19[%swap3A_544, %swap3A_545], %add3A_540 {strides = array<i32>} : memref<8x128xf32, #tpu.memory_space<vmem>>, vector<16xf32>,
      %scan3A_547 = arith.constant 0 : i32
      scf.yield %scan3A_547 : i32
    }
    %scan3A_468 = arith.constant 8 : i32
    %scan3A_469 = arith.constant 0 : i32
    %scan3A_470 = arith.constant 0 : i32
    %scan3A_471 = arith.constant 8 : i32
    %scan3A_472 = arith.addi %scan3A_470, %scan3A_471 : i32
    %scan3A_473 = arith.constant 1 : i32
    %scan3A_474 = scf.for %scan3A_516 = %scan3A_470 to %scan3A_472 step %scan3A_473 iter_args(%scan3A_517 = %scan3A_469) -> (i32)  : i32 {
      %mul3A_518 = arith.constant 16 : i32
      %mul3A_519 = arith.muli %scan3A_516, %mul3A_518 : i32
      %get3A_520 = arith.constant 2 : i32
      %get3A_521 = arith.index_cast %get3A_520 : i32 to index
      %get3A_522 = arith.index_cast %mul3A_519 : i32 to index
      %get3A_523 = tpu.vector_load %arg12[%get3A_521, %get3A_522] {strides = array<i32>} : memref<8x128xi32, #tpu.memory_space<vmem>>, vector<16xi32>,
      %mul3A_524 = arith.constant 16 : i32
      %mul3A_525 = arith.muli %scan3A_516, %mul3A_524 : i32
      %get3A_526 = arith.constant 2 : i32
      %get3A_527 = arith.index_cast %get3A_526 : i32 to index
      %get3A_528 = arith.index_cast %mul3A_525 : i32 to index
      %get3A_529 = tpu.vector_load %arg13[%get3A_527, %get3A_528] {strides = array<i32>} : memref<8x128xf32, #tpu.memory_space<vmem>>, vector<16xf32>,
      %mul3A_530 = arith.constant 0.899999976 : f32
      %mul3A_531 = vector.broadcast %mul3A_530 : f32 to vector<16xf32>
      %mul3A_532 = arith.mulf %get3A_529, %mul3A_531 : vector<16xf32>
      %eq3A_533 = vector.broadcast %reduce_min3A_454 : i32 to vector<16xi32>
      %eq3A_534 = arith.cmpi eq, %get3A_523, %eq3A_533 : vector<16xi32>
      %jit3A_535 = arith.constant 1.000000e+00 : f32
      %jit3A_536 = arith.constant 0.000000e+00 : f32
      %broadcast_in_dim3A_537 = vector.broadcast %jit3A_535 : f32 to vector<16xf32>
      %broadcast_in_dim3A_538 = vector.broadcast %jit3A_536 : f32 to vector<16xf32>
      %select_n3A_539 = arith.select %eq3A_534, %broadcast_in_dim3A_537, %broadcast_in_dim3A_538 : vector<16xi1>, vector<16xf32>
      %add3A_540 = arith.addf %mul3A_532, %select_n3A_539 : vector<16xf32>
      %mul3A_541 = arith.constant 16 : i32
      %mul3A_542 = arith.muli %scan3A_516, %mul3A_541 : i32
      %swap3A_543 = arith.constant 2 : i32
      %swap3A_544 = arith.index_cast %swap3A_543 : i32 to index
      %swap3A_545 = arith.index_cast %mul3A_542 : i32 to index
      %swap3A_546 = tpu.vector_load %arg19[%swap3A_544, %swap3A_545] {strides = array<i32>} : memref<8x128xf32, #tpu.memory_space<vmem>>, vector<16xf32>,
      tpu.vector_store %arg19[%swap3A_544, %swap3A_545], %add3A_540 {strides = array<i32>} : memref<8x128xf32, #tpu.memory_space<vmem>>, vector<16xf32>,
      %scan3A_547 = arith.constant 0 : i32
      scf.yield %scan3A_547 : i32
    }
    %scan3A_475 = arith.constant 8 : i32
    %scan3A_476 = arith.constant 0 : i32
    %scan3A_477 = arith.constant 0 : i32
    %scan3A_478 = arith.constant 8 : i32
    %scan3A_479 = arith.addi %scan3A_477, %scan3A_478 : i32
    %scan3A_480 = arith.constant 1 : i32
    %scan3A_481 = scf.for %scan3A_516 = %scan3A_477 to %scan3A_479 step %scan3A_480 iter_args(%scan3A_517 = %scan3A_476) -> (i32)  : i32 {
      %mul3A_518 = arith.constant 16 : i32
      %mul3A_519 = arith.muli %scan3A_516, %mul3A_518 : i32
      %get3A_520 = arith.constant 3 : i32
      %get3A_521 = arith.index_cast %get3A_520 : i32 to index
      %get3A_522 = arith.index_cast %mul3A_519 : i32 to index
      %get3A_523 = tpu.vector_load %arg12[%get3A_521, %get3A_522] {strides = array<i32>} : memref<8x128xi32, #tpu.memory_space<vmem>>, vector<16xi32>,
      %mul3A_524 = arith.constant 16 : i32
      %mul3A_525 = arith.muli %scan3A_516, %mul3A_524 : i32
      %get3A_526 = arith.constant 3 : i32
      %get3A_527 = arith.index_cast %get3A_526 : i32 to index
      %get3A_528 = arith.index_cast %mul3A_525 : i32 to index
      %get3A_529 = tpu.vector_load %arg13[%get3A_527, %get3A_528] {strides = array<i32>} : memref<8x128xf32, #tpu.memory_space<vmem>>, vector<16xf32>,
      %mul3A_530 = arith.constant 0.899999976 : f32
      %mul3A_531 = vector.broadcast %mul3A_530 : f32 to vector<16xf32>
      %mul3A_532 = arith.mulf %get3A_529, %mul3A_531 : vector<16xf32>
      %eq3A_533 = vector.broadcast %reduce_min3A_454 : i32 to vector<16xi32>
      %eq3A_534 = arith.cmpi eq, %get3A_523, %eq3A_533 : vector<16xi32>
      %jit3A_535 = arith.constant 1.000000e+00 : f32
      %jit3A_536 = arith.constant 0.000000e+00 : f32
      %broadcast_in_dim3A_537 = vector.broadcast %jit3A_535 : f32 to vector<16xf32>
      %broadcast_in_dim3A_538 = vector.broadcast %jit3A_536 : f32 to vector<16xf32>
      %select_n3A_539 = arith.select %eq3A_534, %broadcast_in_dim3A_537, %broadcast_in_dim3A_538 : vector<16xi1>, vector<16xf32>
      %add3A_540 = arith.addf %mul3A_532, %select_n3A_539 : vector<16xf32>
      %mul3A_541 = arith.constant 16 : i32
      %mul3A_542 = arith.muli %scan3A_516, %mul3A_541 : i32
      %swap3A_543 = arith.constant 3 : i32
      %swap3A_544 = arith.index_cast %swap3A_543 : i32 to index
      %swap3A_545 = arith.index_cast %mul3A_542 : i32 to index
      %swap3A_546 = tpu.vector_load %arg19[%swap3A_544, %swap3A_545] {strides = array<i32>} : memref<8x128xf32, #tpu.memory_space<vmem>>, vector<16xf32>,
      tpu.vector_store %arg19[%swap3A_544, %swap3A_545], %add3A_540 {strides = array<i32>} : memref<8x128xf32, #tpu.memory_space<vmem>>, vector<16xf32>,
      %scan3A_547 = arith.constant 0 : i32
      scf.yield %scan3A_547 : i32
    }
    %scan3A_482 = arith.constant 8 : i32
    %scan3A_483 = arith.constant 0 : i32
    %scan3A_484 = arith.constant 0 : i32
    %scan3A_485 = arith.constant 8 : i32
    %scan3A_486 = arith.addi %scan3A_484, %scan3A_485 : i32
    %scan3A_487 = arith.constant 1 : i32
    %scan3A_488 = scf.for %scan3A_516 = %scan3A_484 to %scan3A_486 step %scan3A_487 iter_args(%scan3A_517 = %scan3A_483) -> (i32)  : i32 {
      %mul3A_518 = arith.constant 16 : i32
      %mul3A_519 = arith.muli %scan3A_516, %mul3A_518 : i32
      %get3A_520 = arith.constant 4 : i32
      %get3A_521 = arith.index_cast %get3A_520 : i32 to index
      %get3A_522 = arith.index_cast %mul3A_519 : i32 to index
      %get3A_523 = tpu.vector_load %arg12[%get3A_521, %get3A_522] {strides = array<i32>} : memref<8x128xi32, #tpu.memory_space<vmem>>, vector<16xi32>,
      %mul3A_524 = arith.constant 16 : i32
      %mul3A_525 = arith.muli %scan3A_516, %mul3A_524 : i32
      %get3A_526 = arith.constant 4 : i32
      %get3A_527 = arith.index_cast %get3A_526 : i32 to index
      %get3A_528 = arith.index_cast %mul3A_525 : i32 to index
      %get3A_529 = tpu.vector_load %arg13[%get3A_527, %get3A_528] {strides = array<i32>} : memref<8x128xf32, #tpu.memory_space<vmem>>, vector<16xf32>,
      %mul3A_530 = arith.constant 0.899999976 : f32
      %mul3A_531 = vector.broadcast %mul3A_530 : f32 to vector<16xf32>
      %mul3A_532 = arith.mulf %get3A_529, %mul3A_531 : vector<16xf32>
      %eq3A_533 = vector.broadcast %reduce_min3A_454 : i32 to vector<16xi32>
      %eq3A_534 = arith.cmpi eq, %get3A_523, %eq3A_533 : vector<16xi32>
      %jit3A_535 = arith.constant 1.000000e+00 : f32
      %jit3A_536 = arith.constant 0.000000e+00 : f32
      %broadcast_in_dim3A_537 = vector.broadcast %jit3A_535 : f32 to vector<16xf32>
      %broadcast_in_dim3A_538 = vector.broadcast %jit3A_536 : f32 to vector<16xf32>
      %select_n3A_539 = arith.select %eq3A_534, %broadcast_in_dim3A_537, %broadcast_in_dim3A_538 : vector<16xi1>, vector<16xf32>
      %add3A_540 = arith.addf %mul3A_532, %select_n3A_539 : vector<16xf32>
      %mul3A_541 = arith.constant 16 : i32
      %mul3A_542 = arith.muli %scan3A_516, %mul3A_541 : i32
      %swap3A_543 = arith.constant 4 : i32
      %swap3A_544 = arith.index_cast %swap3A_543 : i32 to index
      %swap3A_545 = arith.index_cast %mul3A_542 : i32 to index
      %swap3A_546 = tpu.vector_load %arg19[%swap3A_544, %swap3A_545] {strides = array<i32>} : memref<8x128xf32, #tpu.memory_space<vmem>>, vector<16xf32>,
      tpu.vector_store %arg19[%swap3A_544, %swap3A_545], %add3A_540 {strides = array<i32>} : memref<8x128xf32, #tpu.memory_space<vmem>>, vector<16xf32>,
      %scan3A_547 = arith.constant 0 : i32
      scf.yield %scan3A_547 : i32
    }
    %scan3A_489 = arith.constant 8 : i32
    %scan3A_490 = arith.constant 0 : i32
    %scan3A_491 = arith.constant 0 : i32
    %scan3A_492 = arith.constant 8 : i32
    %scan3A_493 = arith.addi %scan3A_491, %scan3A_492 : i32
    %scan3A_494 = arith.constant 1 : i32
    %scan3A_495 = scf.for %scan3A_516 = %scan3A_491 to %scan3A_493 step %scan3A_494 iter_args(%scan3A_517 = %scan3A_490) -> (i32)  : i32 {
      %mul3A_518 = arith.constant 16 : i32
      %mul3A_519 = arith.muli %scan3A_516, %mul3A_518 : i32
      %get3A_520 = arith.constant 5 : i32
      %get3A_521 = arith.index_cast %get3A_520 : i32 to index
      %get3A_522 = arith.index_cast %mul3A_519 : i32 to index
      %get3A_523 = tpu.vector_load %arg12[%get3A_521, %get3A_522] {strides = array<i32>} : memref<8x128xi32, #tpu.memory_space<vmem>>, vector<16xi32>,
      %mul3A_524 = arith.constant 16 : i32
      %mul3A_525 = arith.muli %scan3A_516, %mul3A_524 : i32
      %get3A_526 = arith.constant 5 : i32
      %get3A_527 = arith.index_cast %get3A_526 : i32 to index
      %get3A_528 = arith.index_cast %mul3A_525 : i32 to index
      %get3A_529 = tpu.vector_load %arg13[%get3A_527, %get3A_528] {strides = array<i32>} : memref<8x128xf32, #tpu.memory_space<vmem>>, vector<16xf32>,
      %mul3A_530 = arith.constant 0.899999976 : f32
      %mul3A_531 = vector.broadcast %mul3A_530 : f32 to vector<16xf32>
      %mul3A_532 = arith.mulf %get3A_529, %mul3A_531 : vector<16xf32>
      %eq3A_533 = vector.broadcast %reduce_min3A_454 : i32 to vector<16xi32>
      %eq3A_534 = arith.cmpi eq, %get3A_523, %eq3A_533 : vector<16xi32>
      %jit3A_535 = arith.constant 1.000000e+00 : f32
      %jit3A_536 = arith.constant 0.000000e+00 : f32
      %broadcast_in_dim3A_537 = vector.broadcast %jit3A_535 : f32 to vector<16xf32>
      %broadcast_in_dim3A_538 = vector.broadcast %jit3A_536 : f32 to vector<16xf32>
      %select_n3A_539 = arith.select %eq3A_534, %broadcast_in_dim3A_537, %broadcast_in_dim3A_538 : vector<16xi1>, vector<16xf32>
      %add3A_540 = arith.addf %mul3A_532, %select_n3A_539 : vector<16xf32>
      %mul3A_541 = arith.constant 16 : i32
      %mul3A_542 = arith.muli %scan3A_516, %mul3A_541 : i32
      %swap3A_543 = arith.constant 5 : i32
      %swap3A_544 = arith.index_cast %swap3A_543 : i32 to index
      %swap3A_545 = arith.index_cast %mul3A_542 : i32 to index
      %swap3A_546 = tpu.vector_load %arg19[%swap3A_544, %swap3A_545] {strides = array<i32>} : memref<8x128xf32, #tpu.memory_space<vmem>>, vector<16xf32>,
      tpu.vector_store %arg19[%swap3A_544, %swap3A_545], %add3A_540 {strides = array<i32>} : memref<8x128xf32, #tpu.memory_space<vmem>>, vector<16xf32>,
      %scan3A_547 = arith.constant 0 : i32
      scf.yield %scan3A_547 : i32
    }
    %scan3A_496 = arith.constant 8 : i32
    %scan3A_497 = arith.constant 0 : i32
    %scan3A_498 = arith.constant 0 : i32
    %scan3A_499 = arith.constant 8 : i32
    %scan3A_500 = arith.addi %scan3A_498, %scan3A_499 : i32
    %scan3A_501 = arith.constant 1 : i32
    %scan3A_502 = scf.for %scan3A_516 = %scan3A_498 to %scan3A_500 step %scan3A_501 iter_args(%scan3A_517 = %scan3A_497) -> (i32)  : i32 {
      %mul3A_518 = arith.constant 16 : i32
      %mul3A_519 = arith.muli %scan3A_516, %mul3A_518 : i32
      %get3A_520 = arith.constant 6 : i32
      %get3A_521 = arith.index_cast %get3A_520 : i32 to index
      %get3A_522 = arith.index_cast %mul3A_519 : i32 to index
      %get3A_523 = tpu.vector_load %arg12[%get3A_521, %get3A_522] {strides = array<i32>} : memref<8x128xi32, #tpu.memory_space<vmem>>, vector<16xi32>,
      %mul3A_524 = arith.constant 16 : i32
      %mul3A_525 = arith.muli %scan3A_516, %mul3A_524 : i32
      %get3A_526 = arith.constant 6 : i32
      %get3A_527 = arith.index_cast %get3A_526 : i32 to index
      %get3A_528 = arith.index_cast %mul3A_525 : i32 to index
      %get3A_529 = tpu.vector_load %arg13[%get3A_527, %get3A_528] {strides = array<i32>} : memref<8x128xf32, #tpu.memory_space<vmem>>, vector<16xf32>,
      %mul3A_530 = arith.constant 0.899999976 : f32
      %mul3A_531 = vector.broadcast %mul3A_530 : f32 to vector<16xf32>
      %mul3A_532 = arith.mulf %get3A_529, %mul3A_531 : vector<16xf32>
      %eq3A_533 = vector.broadcast %reduce_min3A_454 : i32 to vector<16xi32>
      %eq3A_534 = arith.cmpi eq, %get3A_523, %eq3A_533 : vector<16xi32>
      %jit3A_535 = arith.constant 1.000000e+00 : f32
      %jit3A_536 = arith.constant 0.000000e+00 : f32
      %broadcast_in_dim3A_537 = vector.broadcast %jit3A_535 : f32 to vector<16xf32>
      %broadcast_in_dim3A_538 = vector.broadcast %jit3A_536 : f32 to vector<16xf32>
      %select_n3A_539 = arith.select %eq3A_534, %broadcast_in_dim3A_537, %broadcast_in_dim3A_538 : vector<16xi1>, vector<16xf32>
      %add3A_540 = arith.addf %mul3A_532, %select_n3A_539 : vector<16xf32>
      %mul3A_541 = arith.constant 16 : i32
      %mul3A_542 = arith.muli %scan3A_516, %mul3A_541 : i32
      %swap3A_543 = arith.constant 6 : i32
      %swap3A_544 = arith.index_cast %swap3A_543 : i32 to index
      %swap3A_545 = arith.index_cast %mul3A_542 : i32 to index
      %swap3A_546 = tpu.vector_load %arg19[%swap3A_544, %swap3A_545] {strides = array<i32>} : memref<8x128xf32, #tpu.memory_space<vmem>>, vector<16xf32>,
      tpu.vector_store %arg19[%swap3A_544, %swap3A_545], %add3A_540 {strides = array<i32>} : memref<8x128xf32, #tpu.memory_space<vmem>>, vector<16xf32>,
      %scan3A_547 = arith.constant 0 : i32
      scf.yield %scan3A_547 : i32
    }
    %scan3A_503 = arith.constant 8 : i32
    %scan3A_504 = arith.constant 0 : i32
    %scan3A_505 = arith.constant 0 : i32
    %scan3A_506 = arith.constant 8 : i32
    %scan3A_507 = arith.addi %scan3A_505, %scan3A_506 : i32
    %scan3A_508 = arith.constant 1 : i32
    %scan3A_509 = scf.for %scan3A_516 = %scan3A_505 to %scan3A_507 step %scan3A_508 iter_args(%scan3A_517 = %scan3A_504) -> (i32)  : i32 {
      %mul3A_518 = arith.constant 16 : i32
      %mul3A_519 = arith.muli %scan3A_516, %mul3A_518 : i32
      %get3A_520 = arith.constant 7 : i32
      %get3A_521 = arith.index_cast %get3A_520 : i32 to index
      %get3A_522 = arith.index_cast %mul3A_519 : i32 to index
      %get3A_523 = tpu.vector_load %arg12[%get3A_521, %get3A_522] {strides = array<i32>} : memref<8x128xi32, #tpu.memory_space<vmem>>, vector<16xi32>,
      %mul3A_524 = arith.constant 16 : i32
      %mul3A_525 = arith.muli %scan3A_516, %mul3A_524 : i32
      %get3A_526 = arith.constant 7 : i32
      %get3A_527 = arith.index_cast %get3A_526 : i32 to index
      %get3A_528 = arith.index_cast %mul3A_525 : i32 to index
      %get3A_529 = tpu.vector_load %arg13[%get3A_527, %get3A_528] {strides = array<i32>} : memref<8x128xf32, #tpu.memory_space<vmem>>, vector<16xf32>,
      %mul3A_530 = arith.constant 0.899999976 : f32
      %mul3A_531 = vector.broadcast %mul3A_530 : f32 to vector<16xf32>
      %mul3A_532 = arith.mulf %get3A_529, %mul3A_531 : vector<16xf32>
      %eq3A_533 = vector.broadcast %reduce_min3A_454 : i32 to vector<16xi32>
      %eq3A_534 = arith.cmpi eq, %get3A_523, %eq3A_533 : vector<16xi32>
      %jit3A_535 = arith.constant 1.000000e+00 : f32
      %jit3A_536 = arith.constant 0.000000e+00 : f32
      %broadcast_in_dim3A_537 = vector.broadcast %jit3A_535 : f32 to vector<16xf32>
      %broadcast_in_dim3A_538 = vector.broadcast %jit3A_536 : f32 to vector<16xf32>
      %select_n3A_539 = arith.select %eq3A_534, %broadcast_in_dim3A_537, %broadcast_in_dim3A_538 : vector<16xi1>, vector<16xf32>
      %add3A_540 = arith.addf %mul3A_532, %select_n3A_539 : vector<16xf32>
      %mul3A_541 = arith.constant 16 : i32
      %mul3A_542 = arith.muli %scan3A_516, %mul3A_541 : i32
      %swap3A_543 = arith.constant 7 : i32
      %swap3A_544 = arith.index_cast %swap3A_543 : i32 to index
      %swap3A_545 = arith.index_cast %mul3A_542 : i32 to index
      %swap3A_546 = tpu.vector_load %arg19[%swap3A_544, %swap3A_545] {strides = array<i32>} : memref<8x128xf32, #tpu.memory_space<vmem>>, vector<16xf32>,
      tpu.vector_store %arg19[%swap3A_544, %swap3A_545], %add3A_540 {strides = array<i32>} : memref<8x128xf32, #tpu.memory_space<vmem>>, vector<16xf32>,
      %scan3A_547 = arith.constant 0 : i32
      scf.yield %scan3A_547 : i32
    }
    %scan3A_510 = arith.constant 8 : i32
    "tpu.region"() ({
      %run_scoped3A = tpu.sem_alloc : memref<!tpu.dma_semaphore, #tpu.memory_space<semaphore_mem>>
      %dma_start3A_516 = arith.constant 0 : i32
      %dma_start3A_517 = tpu.memref_slice %arg6[%mul3A_3, %dma_start3A_516] : memref<128x128xf32, #tpu.memory_space<hbm>> -> memref<8x128xf32, #tpu.memory_space<hbm>>
      %dma_start3A_518 = arith.constant 0 : i32
      %dma_start3A_519 = tpu.memref_slice %arg6[%mul3A_3, %dma_start3A_518] : memref<128x128xf32, #tpu.memory_space<hbm>> -> memref<8x128xf32, #tpu.memory_space<hbm>>
      tpu.enqueue_dma source(%arg19 : memref<8x128xf32, #tpu.memory_space<vmem>>) target(%dma_start3A_519 : memref<8x128xf32, #tpu.memory_space<hbm>>) target_semaphore(%run_scoped3A : memref<!tpu.dma_semaphore, #tpu.memory_space<semaphore_mem>>)
      %dma_wait3A_520 = arith.constant 0 : i32
      %dma_wait3A_521 = tpu.memref_slice %arg6[%mul3A_3, %dma_wait3A_520] : memref<128x128xf32, #tpu.memory_space<hbm>> -> memref<8x128xf32, #tpu.memory_space<hbm>>
      %dma_wait3A_522 = arith.constant 0 : i32
      %dma_wait3A_523 = tpu.memref_slice %arg6[%mul3A_3, %dma_wait3A_522] : memref<128x128xf32, #tpu.memory_space<hbm>> -> memref<8x128xf32, #tpu.memory_space<hbm>>
      tpu.wait_dma2 semaphore(%run_scoped3A : memref<!tpu.dma_semaphore, #tpu.memory_space<semaphore_mem>>) src(%arg19 : memref<8x128xf32, #tpu.memory_space<vmem>>) dst(%dma_wait3A_523 : memref<8x128xf32, #tpu.memory_space<hbm>>)
      tpu.yield
    }) : () -> ()
    %eq3A_511 = arith.constant 0 : i32
    %eq3A_512 = arith.cmpi eq, %arg1, %eq3A_511 : i32
    %convert_element_type3A = arith.extui %eq3A_512 : i1 to i32
    %cond3A = arith.constant 0 : i32
    %cond3A_513 = arith.cmpi ne, %convert_element_type3A, %cond3A : i32
    scf.if %cond3A_513 {
      %broadcast_in_dim3A_516 = vector.broadcast %reduce_min3A_454 : i32 to vector<16xi32>
      %swap3A_517 = arith.constant 0 : index
      %swap3A_518 = tpu.vector_load %arg16[%swap3A_517] {strides = array<i32>} : memref<16xi32, #tpu.memory_space<vmem>>, vector<16xi32>,
      tpu.vector_store %arg16[%swap3A_517], %broadcast_in_dim3A_516 {strides = array<i32>} : memref<16xi32, #tpu.memory_space<vmem>>, vector<16xi32>,
      "tpu.region"() ({
        %run_scoped3A = tpu.sem_alloc : memref<!tpu.dma_semaphore, #tpu.memory_space<semaphore_mem>>
        %dma_start3A_519 = arith.constant 0 : i32
        %dma_start3A_520 = tpu.memref_slice %arg16[%dma_start3A_519] : memref<16xi32, #tpu.memory_space<vmem>> -> memref<1xi32, #tpu.memory_space<vmem>>
        %dma_start3A_521 = arith.constant 0 : i32
        %dma_start3A_522 = tpu.memref_slice %arg16[%dma_start3A_521] : memref<16xi32, #tpu.memory_space<vmem>> -> memref<1xi32, #tpu.memory_space<vmem>>
        tpu.enqueue_dma source(%dma_start3A_522 : memref<1xi32, #tpu.memory_space<vmem>>) target(%arg7 : memref<1xi32, #tpu.memory_space<hbm>>) target_semaphore(%run_scoped3A : memref<!tpu.dma_semaphore, #tpu.memory_space<semaphore_mem>>)
        %dma_wait3A_523 = arith.constant 0 : i32
        %dma_wait3A_524 = tpu.memref_slice %arg16[%dma_wait3A_523] : memref<16xi32, #tpu.memory_space<vmem>> -> memref<1xi32, #tpu.memory_space<vmem>>
        %dma_wait3A_525 = arith.constant 0 : i32
        %dma_wait3A_526 = tpu.memref_slice %arg16[%dma_wait3A_525] : memref<16xi32, #tpu.memory_space<vmem>> -> memref<1xi32, #tpu.memory_space<vmem>>
        tpu.wait_dma2 semaphore(%run_scoped3A : memref<!tpu.dma_semaphore, #tpu.memory_space<semaphore_mem>>) src(%dma_wait3A_526 : memref<1xi32, #tpu.memory_space<vmem>>) dst(%arg7 : memref<1xi32, #tpu.memory_space<hbm>>)
        tpu.yield
      }) : () -> ()
    } else {
    }
    %dma_wait3A_514 = tpu.memref_slice %arg5[%multiple_of3A] : memref<100000xf32, #tpu.memory_space<hbm>> -> memref<6272xf32, #tpu.memory_space<hbm>>
    %dma_wait3A_515 = tpu.memref_slice %arg5[%multiple_of3A] : memref<100000xf32, #tpu.memory_space<hbm>> -> memref<6272xf32, #tpu.memory_space<hbm>>
    tpu.wait_dma2 semaphore(%arg20 : memref<!tpu.dma_semaphore, #tpu.memory_space<semaphore_mem>>) src(%arg11 : memref<6272xf32, #tpu.memory_space<vmem>>) dst(%dma_wait3A_515 : memref<6272xf32, #tpu.memory_space<hbm>>)
    return
  }
}

</mosaic_0001>

<sc_bundles>
// kernel: _run.3.cloned.1.call-start
scs
__scs_entry_jumppad:
0x0: {  	(pc) =	sbr.rel $0x88, $3  }
0x1: {  	(tag) =	ssettag $0x0;
	lr =	simm.s32 $0x1  }
0x2: {  	[smem:$0x3F9E] =	sst lr;
	_ =	strace $0xD0000000  }
0x3: {  	_ = 	snop  }
0x4: {  	_ = 	snop  }
0x5: {  	_ = 	snop  }
0x6: {  	_ = 	snop  }
0x7: {  	_ = 	snop  }
__scs_overlays_trampoline_lowered:
0x8: {  	[smem:$0x3FAD] =	sst s0  }
0x9: {  	[smem:$0x3FAE] =	sst s1  }
0xa: {  	[smem:$0x3FAF] =	sst s2  }
0xb: {  	[smem:$0x3FB0] =	sst s3  }
0xc: {  	[smem:$0x3FB1] =	sst s4  }
0xd: {  	[smem:$0x3FB2] =	sst s5  }
0xe: {  	[smem:$0x3FB3] =	sst s6  }
0xf: {  	[smem:$0x3FB4] =	sst s7  }
0x10: {  	[smem:$0x3FB5] =	sst s8  }
0x11: {  	[smem:$0x3FB6] =	sst s9;
	s0 =	simm.s32 @!p0 $0x0  }
0x12: {  	s1 =	sld [smem:$0x3F9C];
	s0 =	simm.s32 @p0 $0x1  }
0x13: {  	[smem:$0x3FB7] =	sst s0;
	s0 =	simm.s32 @!p1 $0x0  }
0x14: {  	s2 =	sld [smem:$0x3F9B];
	s0 =	simm.s32 @p1 $0x1  }
0x15: {  	[smem:$0x3FB8] =	sst s0;
	s0 =	simm.s32 @!p2 $0x0  }
0x16: {  	s3 =	sld [smem:$0x3FDB];
	s0 =	simm.s32 @p2 $0x1  }
0x17: {  	s4 =	simm.s32 $0x1BF5;
	[smem:$0x3FBA] =	sst s0  }
0x18: {  	s0 =	sld [smem:$0x3F9D];
	_ =	swait.ge [sflag:s4], $0x0  }
0x19: {  	s7 =	sld [smem:$0x3F9E]  }
0x1a: {  	s8 =	sadd.s32 $0xFFFFE003, lr  }
0x1b: {  	s9 =	sadd.s32 $0xFFFFFEF7, lr;
	s5 =	simm.s32 $0xFFFFFFFF;
	p2 =	slt.u32 s8, $0xFFFFF086  }
0x1c: {  	p1 =	slt.u32 s9, $0xF7A;
	s5 =	simm.s32 @!p2 $0x0  }
0x1d: {  	s5 =	simm.s32 @p1 $0x1;
	p0 =	seq.s32 s7, s2  }
0x1e: {  	s7 =	smul.u32 @!p0 $0xF7A, s2;
	p2 =	seq.s32 @!p0 s5, $0x0  }
0x1f: {  	s9 =	smul.u32 $0xF7A, s1;
	s8 =	simm.s32 @!p0 $0x1BF5;
	p2 =	por !p2, p0  }
0x20: {  	[sflag:s8] =	ssyncset.s32 @!p0 $0xFFFFF086;
	s6 =	sadd.s32 @!p0 s3, s7;
	s7 =	simm.s32 @!p0 $0x108  }
0x21: {  	s3 =	sadd.s32 s3, s9;
	s6 =	sadd.s32 @!p0 $0x88, s6;
	s7 =	simm.s32 @p2 $0x1082  }
0x22: {  	[simem:s7], [sflag:s8] =	dma.local @!p0 [hbm:s6], $0xF7A  }
0x23: {  	s9 =	sor.u32 $0xD0000000, s2;
	s6 =	simm.s32 $0x108;
	_ =	swait.ge @!p0 [sflag:s8], $0x0  }
0x24: {  	s3 =	sadd.s32 $0x88, s3;
	s6 =	simm.s32 @!p1 $0x1082;
	[sflag:s4] =	ssyncset.s32 $0xFFFFF086  }
0x25: {  	[simem:s6], [sflag:s4] =	dma.local [hbm:s3], $0xF7A  }
0x26: {  	[smem:$0x3F9E] =	sst s1;
	(tag) =	ssettag s2;
	_ =	strace s9  }
0x27: {  	s1 =	sld [smem:$0x3FAE]  }
0x28: {  	s2 =	sld [smem:$0x3FAF]  }
0x29: {  	s4 =	sld [smem:$0x3FB1]  }
0x2a: {  	p0 =	seq.s32 s5, $0x0;
	s5 =	sld [smem:$0x3FB2]  }
0x2b: {  	s6 =	sld [smem:$0x3FB3]  }
0x2c: {  	s7 =	sld [smem:$0x3FB4]  }
0x2d: {  	s3 =	simm.s32 $0x108;
	s8 =	sld [smem:$0x3FB5]  }
0x2e: {  	s3 =	simm.s32 @!p0 $0x1082;
	s9 =	sld [smem:$0x3FB6]  }
0x2f: {  	lr =	sadd.s32 s0, s3;
	s0 =	sld [smem:$0x3FAD]  }
0x30: {  	s3 =	sld [smem:$0x3FB0]  }
0x31: {  	[smem:$0x3FB9] =	sst s10  }
0x32: {  	s10 =	sld [smem:$0x3FB7];
	_ =	sdelay $0x3  }
0x33: {  	p0 =	seq.s32 s10, $0x1;
	s10 =	sld [smem:$0x3FB9];
	_ =	sdelay $0x3  }
0x34: {  	[smem:$0x3FB9] =	sst s10  }
0x35: {  	s10 =	sld [smem:$0x3FB8];
	_ =	sdelay $0x3  }
0x36: {  	p1 =	seq.s32 s10, $0x1;
	s10 =	sld [smem:$0x3FB9];
	_ =	sdelay $0x3  }
0x37: {  	[smem:$0x3FB9] =	sst s10  }
0x38: {  	s10 =	sld [smem:$0x3FBA]  }
0x39: {  	_ = 	snop;
	(pc) =	sbr.ind lr, $3  }
0x3a: {  	_ = 	snop  }
0x3b: {  	_ = 	snop  }
0x3c: {  	p2 =	seq.s32 s10, $0x1;
	s10 =	sld [smem:$0x3FB9]  }
0x3d: {  	_ =	shalt  }
0x3e: {  	_ =	shalt  }
0x3f: {  	_ =	shalt  }
0x40: {  	_ =	shalt  }
0x41: {  	_ =	shalt  }
0x42: {  	_ =	shalt  }
0x43: {  	_ =	shalt  }
0x44: {  	_ =	shalt  }
0x45: {  	_ =	shalt  }
0x46: {  	_ =	shalt  }
0x47: {  	_ =	shalt  }
0x48: {  	_ =	shalt  }
0x49: {  	_ =	shalt  }
0x4a: {  	_ =	shalt  }
0x4b: {  	_ =	shalt  }
0x4c: {  	_ =	shalt  }
0x4d: {  	_ =	shalt  }
0x4e: {  	_ =	shalt  }
0x4f: {  	_ =	shalt  }
0x50: {  	_ =	shalt  }
0x51: {  	_ =	shalt  }
0x52: {  	_ =	shalt  }
0x53: {  	_ =	shalt  }
0x54: {  	_ =	shalt  }
0x55: {  	_ =	shalt  }
0x56: {  	_ =	shalt  }
0x57: {  	_ =	shalt  }
0x58: {  	_ =	shalt  }
0x59: {  	_ =	shalt  }
0x5a: {  	_ =	shalt  }
0x5b: {  	_ =	shalt  }
0x5c: {  	_ =	shalt  }
0x5d: {  	_ =	shalt  }
0x5e: {  	_ =	shalt  }
0x5f: {  	_ =	shalt  }
0x60: {  	_ =	shalt  }
0x61: {  	_ =	shalt  }
0x62: {  	_ =	shalt  }
0x63: {  	_ =	shalt  }
0x64: {  	_ =	shalt  }
0x65: {  	_ =	shalt  }
0x66: {  	_ =	shalt  }
0x67: {  	_ =	shalt  }
0x68: {  	_ =	shalt  }
0x69: {  	_ =	shalt  }
0x6a: {  	_ =	shalt  }
0x6b: {  	_ =	shalt  }
0x6c: {  	_ =	shalt  }
0x6d: {  	_ =	shalt  }
0x6e: {  	_ =	shalt  }
0x6f: {  	_ =	shalt  }
0x70: {  	_ =	shalt  }
0x71: {  	_ =	shalt  }
0x72: {  	_ =	shalt  }
0x73: {  	_ =	shalt  }
0x74: {  	_ =	shalt  }
0x75: {  	_ =	shalt  }
0x76: {  	_ =	shalt  }
0x77: {  	_ =	shalt  }
0x78: {  	_ =	shalt  }
0x79: {  	_ =	shalt  }
0x7a: {  	_ =	shalt  }
0x7b: {  	_ =	shalt  }
0x7c: {  	_ =	shalt  }
0x7d: {  	_ =	shalt  }
0x7e: {  	_ =	shalt  }
0x7f: {  	_ =	shalt  }
0x80: {  	_ =	shalt  }
0x81: {  	_ =	shalt  }
0x82: {  	_ =	shalt  }
0x83: {  	_ =	shalt  }
0x84: {  	_ =	shalt  }
0x85: {  	_ =	shalt  }
0x86: {  	_ =	shalt  }
0x87: {  	_ =	shalt  }
.Lfunc_end0:
.L_simem_size_0:
called_computation_lowered:
.L_overlay_start_0:
0x88: {  	s0 =	sld [smem:$0x3FD9]  }
0x89: {  	s1 =	sld [smem:$0x3FFE];
	_ =	sdelay $0x3  }
0x8a: {  	s0 =	sadd.s32 s1, s0  }
0x8b: {  	[smem:$0x3FC5] =	sst s0  }
0x8c: {  	_ = 	snop  }
0x8d: {  	s0 =	sld [smem:$0x3FD0]  }
0x8e: {  	s14 =	sld [smem:$0x3FC9]  }
0x8f: {  	s2 =	sld [smem:$0x3FC8]  }
0x90: {  	s4 =	simm.s32 $0xA;
	s5 =	simm.s32 $0x10;
	s3 =	sld [smem:$0x3FC7]  }
0x91: {  	[smem:s5], [sflag:s4] =	dma.local [hbm:s0], $0x1  }
0x92: {  	_ =	swait.eq [sflag:s4], $0x1  }
0x93: {  	s15 =	sld [smem:$0x10]  }
0x94: {  	s16 =	sld [smem:$0x11]  }
0x95: {  	s6 =	sld [smem:$0x12];
	[sflag:s4] =	ssyncset.done $0x0  }
0x96: {  	s7 =	sld [smem:$0x13];
	[sflag:s4] =	ssyncadd.s32 $0xFFFFFFFF  }
0x97: {  	s17 =	sld [smem:$0x14];
	(tm) =	ssettm $0x1  }
0x98: {  	s8 =	sld [smem:$0x3FFB];
	_ =	sdelay $0x3  }
0x99: {  	_ =	strace s8  }
0x9a: {  	s8 =	sld [smem:$0x3FFC];
	_ =	sdelay $0x3  }
0x9b: {  	_ =	strace s8  }
0x9c: {  	s8 =	sld [smem:$0x3FFD];
	_ =	sdelay $0x3  }
0x9d: {  	_ =	strace s8  }
0x9e: {  	_ =	strace $0x8FFFFFFF  }
0x9f: {  	s18 =	sld [smem:$0x3FDB];
	_ =	sdelay $0x1  }
0xa0: {  	s9 =	simm.s32 $_scs_section_size  }
0xa1: {  	s10 =	simm.s32 $_size__tile_overlayer_lowered;
	s11 =	simm.s32 $_tile_overlayer_lowered  }
0xa2: {  	s21 =	simm.s32 $0x1BFF;
	s20 =	sshll.u32 s11, $0x1;
	s8 =	sadd.s32 s9, s18  }
0xa3: {  	s12 =	simm.s32 $0x0;
	s19 =	sshll.u32 s10, $0x1;
	s10 =	sadd.s32 s20, s8  }
0xa4: {  	[timem:s12], [sflag:s21] =	dma.local [hbm:s10], s19  }
0xa5: {  	_ =	swait.ge [sflag:s21], s19  }
0xa6: {  	s9 =	ssub.s32 $0x0, s19;
	[sflag:s21] =	ssyncset.done $0x0  }
0xa7: {  	[sflag:s21] =	ssyncadd.s32 s9;
	_ =	sdelay $0x1  }
0xa8: {  	s22 =	simm.s32 $0x1B8B  }
0xa9: {  	_ =	swait.ge [sflag:s22], $0x1  }
0xaa: {  	[sflag:s22] =	ssyncset.done $0x0  }
0xab: {  	s23 =	simm.s32 $0x1B8E;
	[sflag:s22] =	ssyncadd.s32 $0xFFFFFFFF  }
0xac: {  	s24 =	simm.s32 $execute0_lowered;
	[smem:$0x3FD2] =	sst s23  }
0xad: {  	s9 =	sshll.u32 s24, $0x1;
	_ =	strace $0x80000046;
	[dreg:$0x1] =	wrdreg $0xFFFFFFFF  }
0xae: {  	s25 =	simm.s32 $_size_execute0_lowered;
	s8 =	sadd.s32 s8, s9;
	[dreg:$0x0] =	wrdreg $0x0  }
0xaf: {  	s9 =	sshll.u32 s25, $0x1;
	[dreg:$0x2] =	wrdreg s8  }
0xb0: {  	[dreg:$0x3] =	wrdreg s9  }
0xb1: {  	[dreg:$0x4] =	wrdreg $0xC0  }
0xb2: {  	_ =	task [dreg:s12], $0x5FFFF  }
0xb3: {  	[dreg:$0x1] =	wrdreg $0xFFFFFFFF  }
0xb4: {  	[dreg:$0x0] =	wrdreg $0x60  }
0xb5: {  	[dreg:$0x2] =	wrdreg s14  }
0xb6: {  	[dreg:$0x3] =	wrdreg s2  }
0xb7: {  	[dreg:$0x4] =	wrdreg s3  }
0xb8: {  	[dreg:$0x5] =	wrdreg s15  }
0xb9: {  	[dreg:$0x6] =	wrdreg s16  }
0xba: {  	[dreg:$0x7] =	wrdreg s6  }
0xbb: {  	[dreg:$0x8] =	wrdreg s7  }
0xbc: {  	[dreg:$0x9] =	wrdreg s17  }
0xbd: {  	[dreg:$0xa] =	wrdreg $0x0  }
0xbe: {  	[dreg:$0xb] =	wrdreg $0x9  }
0xbf: {  	_ =	task.clear_ibuf [dreg:s12], $0xCFFFF;
	_ =	strace $0x90000046  }
0xc0: {  	s26 =	simm.s32 $0x9;
	_ =	strace $0x80000048  }
0xc1: {  	_ =	swait.ge [sflag:s26], $0x1  }
0xc2: {  	[sflag:s26] =	ssyncadd.s32 $0xFFFFFFFF  }
0xc3: {  	_ =	strace $0x90000048  }
0xc4: {  	_ =	sfence  }
0xc5: {  	s28 =	sld [smem:$0x0];
	_ =	sdelay $0x1  }
0xc6: {  	s29 =	srdreg.scid  }
0xc7: {  	s30 =	sshll.u32 s29, $0xD;
	s31 =	sshrl.u32 s29, $0x2  }
0xc8: {  	s1 =	sand.u32 $0x1, s29;
	s2 =	sand.u32 $0x4000, s30;
	s0 =	sadd.s32 s31, s28  }
0xc9: {  	s1 =	sor.u32 s2, s1;
	s0 =	sshll.u32 s0, $0x11  }
0xca: {  	s0 =	sor.u32 s0, s1  }
0xcb: {  	s0 =	sadd.s32 $0x8F2B, s0  }
0xcc: {  	[sflag:s0] =	ssyncadd.remote.s32 $0x1  }
0xcd: {  	_ =	sfence.sel $0xFFFF  }
0xce: {  	[dreg:$0x0] =	wrdreg $0xFFFFFFFF;
	(pc) =	sbr.abs _section_cstart, $3  }
0xcf: {  	[dreg:$0x1] =	wrdreg $0xFFFFFFFF  }
0xd0: {  	_ =	task.clear_ibuf [dreg:s12], $0x2FFFF;
	_ =	strace $0x9FFFFFFF  }
0xd1: {  	(tm) =	ssettm $0x7FFFFFFF  }
tec
execute0_lowered:
.L_overlay_start_1:
0x0: {  	(tag) =	ssettag $0x1  }
0x1: {  	s4 =	rddreg [dreg:$0x0]  }
0x2: {  	s13 =	rddreg [dreg:$0x1]  }
0x3: {  	s14 =	rddreg [dreg:$0x2]  }
0x4: {  	s5 =	rddreg [dreg:$0x3]  }
0x5: {  	s2 =	rddreg [dreg:$0x4]  }
0x6: {  	s1 =	rddreg [dreg:$0x5]  }
0x7: {  	s8 =	rddreg [dreg:$0x6];
	s3 =	stileid.u32  }
0x8: {  	s7 =	rddreg [dreg:$0x7];
	s6 =	smul.u32 $0x1880, s3  }
0x9: {  	s12 =	rddreg [dreg:$0x8]  }
0xa: {  	s0 =	rddreg [dreg:$0x9];
	s10 =	simm.s32 $0x0;
	s9 =	smin.u32 s6, $0x16E20  }
0xb: {  	s11 =	simm.s32 $0x1870;
	[smem:$0x7FF] =	sst s10;
	s6 =	sshrl.u32 s9, $0x3  }
0xc: {  	_ =	strace $0x80000047;
	s15 =	sadd.s32 s4, s6;
	s4 =	sshll.u32 s3, $0x7  }
0xd: {  	[tilespmem:s11], [sflag:$0x1] =	stream.linear.gather [hbm4b:s15+s10], $0x1880, $0x38;
	[tilespmem:$0x51F0] =	vst v63  }
0xe: {  	s25 =	simm.s32 $0x30F0;
	s24 =	sadd.s32 s13, s4  }
0xf: {  	[tilespmem:s25], [sflag:$0x2] =	stream.linear.gather [hbm4b:s24+s10], $0x400, $0x38;
	[tilespmem:$0x51F0] =	vst v63  }
0x10: {  	s26 =	simm.s32 $0x34F0;
	s28 =	simm.s32 $0x2;
	s14 =	sadd.s32 s14, s4  }
0x11: {  	[tilespmem:s26], [sflag:$0x2] =	stream.linear.gather [hbm4b:s14+s10], $0x400, $0x38;
	[tilespmem:$0x51F0] =	vst v63  }
0x12: {  	_ =	swait.ge [sflag:s28], $0x400  }
0x13: {  	[sflag:s28] =	ssyncset.done $0x0  }
0x14: {  	[sflag:s28] =	ssyncadd.s32 $0xFFFFFC00  }
0x15: {  	_ =	swait.ge [sflag:s28], $0x400  }
0x16: {  	[sflag:s28] =	ssyncset.done $0x0  }
0x17: {  	[sflag:s28] =	ssyncadd.s32 $0xFFFFFC00  }
0x18: {  	v0 =	vld [tilespmem:$0x34F0]  }
0x19: {  	v1 =	vld [tilespmem:$0x3500]  }
0x1a: {  	v2 =	vld [tilespmem:$0x3510]  }
0x1b: {  	v3 =	vld [tilespmem:$0x3520]  }
0x1c: {  	v4 =	vld [tilespmem:$0x3530]  }
0x1d: {  	v5 =	vld [tilespmem:$0x3540];
	v0 =	vmul.f32 $5.000000000e-01, v0  }
0x1e: {  	v6 =	vld [tilespmem:$0x3550];
	v1 =	vmul.f32 $5.000000000e-01, v1  }
0x1f: {  	v7 =	vld [tilespmem:$0x3560];
	v2 =	vmul.f32 $5.000000000e-01, v2;
	v0 =	vsub.f32 $-1.000000000e+00, v0  }
0x20: {  	v8 =	vld [tilespmem:$0x3570];
	v3 =	vmul.f32 $5.000000000e-01, v3;
	v1 =	vsub.f32 $-1.000000000e+00, v1  }
0x21: {  	v61 =	vld [tilespmem:$0x3580];
	[tilespmem:$0x38F0] =	vst v0;
	v0 =	vsub.f32 $-1.000000000e+00, v2;
	v2 =	vmul.f32 $5.000000000e-01, v4  }
0x22: {  	v62 =	vld [tilespmem:$0x3590];
	[tilespmem:$0x3900] =	vst v1;
	v1 =	vsub.f32 $-1.000000000e+00, v3;
	v3 =	vmul.f32 $5.000000000e-01, v5  }
0x23: {  	v63 =	vld [tilespmem:$0x35A0];
	[tilespmem:$0x3910] =	vst v0;
	v0 =	vsub.f32 $-1.000000000e+00, v2;
	v2 =	vmul.f32 $5.000000000e-01, v6  }
0x24: {  	v12 =	vld [tilespmem:$0x35B0];
	[tilespmem:$0x3920] =	vst v1;
	v1 =	vsub.f32 $-1.000000000e+00, v3;
	v3 =	vmul.f32 $5.000000000e-01, v7  }
0x25: {  	v13 =	vld [tilespmem:$0x35C0];
	[tilespmem:$0x3930] =	vst v0;
	v0 =	vsub.f32 $-1.000000000e+00, v2;
	v2 =	vmul.f32 $5.000000000e-01, v8  }
0x26: {  	v14 =	vld [tilespmem:$0x35D0];
	[tilespmem:$0x3940] =	vst v1;
	v1 =	vsub.f32 $-1.000000000e+00, v3;
	v3 =	vmul.f32 $5.000000000e-01, v61  }
0x27: {  	v15 =	vld [tilespmem:$0x35E0];
	[tilespmem:$0x3950] =	vst v0;
	v0 =	vsub.f32 $-1.000000000e+00, v2;
	v2 =	vmul.f32 $5.000000000e-01, v62  }
0x28: {  	v16 =	vld [tilespmem:$0x35F0];
	[tilespmem:$0x3960] =	vst v1;
	v1 =	vsub.f32 $-1.000000000e+00, v3;
	v3 =	vmul.f32 $5.000000000e-01, v63  }
0x29: {  	v17 =	vld [tilespmem:$0x3600];
	[tilespmem:$0x3970] =	vst v0;
	v0 =	vsub.f32 $-1.000000000e+00, v2;
	v2 =	vmul.f32 $5.000000000e-01, v12  }
0x2a: {  	v18 =	vld [tilespmem:$0x3610];
	[tilespmem:$0x3980] =	vst v1;
	v1 =	vsub.f32 $-1.000000000e+00, v3;
	v3 =	vmul.f32 $5.000000000e-01, v13  }
0x2b: {  	v19 =	vld [tilespmem:$0x3620];
	[tilespmem:$0x3990] =	vst v0;
	v0 =	vsub.f32 $-1.000000000e+00, v2;
	v2 =	vmul.f32 $5.000000000e-01, v14  }
0x2c: {  	v20 =	vld [tilespmem:$0x3630];
	[tilespmem:$0x39A0] =	vst v1;
	v1 =	vsub.f32 $-1.000000000e+00, v3;
	v3 =	vmul.f32 $5.000000000e-01, v15  }
0x2d: {  	v21 =	vld [tilespmem:$0x3640];
	[tilespmem:$0x39B0] =	vst v0;
	v0 =	vsub.f32 $-1.000000000e+00, v2;
	v2 =	vmul.f32 $5.000000000e-01, v16  }
0x2e: {  	v22 =	vld [tilespmem:$0x3650];
	[tilespmem:$0x39C0] =	vst v1;
	v1 =	vsub.f32 $-1.000000000e+00, v3;
	v3 =	vmul.f32 $5.000000000e-01, v17  }
0x2f: {  	v23 =	vld [tilespmem:$0x3660];
	[tilespmem:$0x39D0] =	vst v0;
	v0 =	vsub.f32 $-1.000000000e+00, v2;
	v2 =	vmul.f32 $5.000000000e-01, v18  }
0x30: {  	v24 =	vld [tilespmem:$0x3670];
	[tilespmem:$0x39E0] =	vst v1;
	v1 =	vsub.f32 $-1.000000000e+00, v3;
	v3 =	vmul.f32 $5.000000000e-01, v19  }
0x31: {  	v25 =	vld [tilespmem:$0x3680];
	[tilespmem:$0x39F0] =	vst v0;
	v0 =	vsub.f32 $-1.000000000e+00, v2;
	v2 =	vmul.f32 $5.000000000e-01, v20  }
0x32: {  	v26 =	vld [tilespmem:$0x3690];
	[tilespmem:$0x3A00] =	vst v1;
	v1 =	vsub.f32 $-1.000000000e+00, v3;
	v3 =	vmul.f32 $5.000000000e-01, v21  }
0x33: {  	v27 =	vld [tilespmem:$0x36A0];
	[tilespmem:$0x3A10] =	vst v0;
	v0 =	vsub.f32 $-1.000000000e+00, v2;
	v2 =	vmul.f32 $5.000000000e-01, v22  }
0x34: {  	v28 =	vld [tilespmem:$0x36B0];
	[tilespmem:$0x3A20] =	vst v1;
	v1 =	vsub.f32 $-1.000000000e+00, v3;
	v3 =	vmul.f32 $5.000000000e-01, v23  }
0x35: {  	v29 =	vld [tilespmem:$0x36C0];
	[tilespmem:$0x3A30] =	vst v0;
	v0 =	vsub.f32 $-1.000000000e+00, v2;
	v2 =	vmul.f32 $5.000000000e-01, v24  }
0x36: {  	v30 =	vld [tilespmem:$0x36D0];
	[tilespmem:$0x3A40] =	vst v1;
	v1 =	vsub.f32 $-1.000000000e+00, v3;
	v3 =	vmul.f32 $5.000000000e-01, v25  }
0x37: {  	v31 =	vld [tilespmem:$0x36E0];
	[tilespmem:$0x3A50] =	vst v0;
	v0 =	vsub.f32 $-1.000000000e+00, v2;
	v2 =	vmul.f32 $5.000000000e-01, v26  }
0x38: {  	v32 =	vld [tilespmem:$0x36F0];
	[tilespmem:$0x3A60] =	vst v1;
	v1 =	vsub.f32 $-1.000000000e+00, v3;
	v3 =	vmul.f32 $5.000000000e-01, v27  }
0x39: {  	v33 =	vld [tilespmem:$0x3700];
	[tilespmem:$0x3A70] =	vst v0;
	v0 =	vsub.f32 $-1.000000000e+00, v2;
	v2 =	vmul.f32 $5.000000000e-01, v28  }
0x3a: {  	v34 =	vld [tilespmem:$0x3710];
	[tilespmem:$0x3A80] =	vst v1;
	v1 =	vsub.f32 $-1.000000000e+00, v3;
	v3 =	vmul.f32 $5.000000000e-01, v29  }
0x3b: {  	v35 =	vld [tilespmem:$0x3720];
	[tilespmem:$0x3A90] =	vst v0;
	v0 =	vsub.f32 $-1.000000000e+00, v2;
	v2 =	vmul.f32 $5.000000000e-01, v30  }
0x3c: {  	v36 =	vld [tilespmem:$0x3730];
	[tilespmem:$0x3AA0] =	vst v1;
	v1 =	vsub.f32 $-1.000000000e+00, v3;
	v3 =	vmul.f32 $5.000000000e-01, v31  }
0x3d: {  	v37 =	vld [tilespmem:$0x3740];
	[tilespmem:$0x3AB0] =	vst v0;
	v0 =	vsub.f32 $-1.000000000e+00, v2;
	v2 =	vmul.f32 $5.000000000e-01, v32  }
0x3e: {  	v38 =	vld [tilespmem:$0x3750];
	[tilespmem:$0x3AC0] =	vst v1;
	v1 =	vsub.f32 $-1.000000000e+00, v3;
	v3 =	vmul.f32 $5.000000000e-01, v33  }
0x3f: {  	v39 =	vld [tilespmem:$0x3760];
	[tilespmem:$0x3AD0] =	vst v0;
	v0 =	vsub.f32 $-1.000000000e+00, v2;
	v2 =	vmul.f32 $5.000000000e-01, v34  }
0x40: {  	v40 =	vld [tilespmem:$0x3770];
	[tilespmem:$0x3AE0] =	vst v1;
	v1 =	vsub.f32 $-1.000000000e+00, v3;
	v3 =	vmul.f32 $5.000000000e-01, v35  }
0x41: {  	v41 =	vld [tilespmem:$0x3780];
	[tilespmem:$0x3AF0] =	vst v0;
	v0 =	vsub.f32 $-1.000000000e+00, v2;
	v2 =	vmul.f32 $5.000000000e-01, v36  }
0x42: {  	v42 =	vld [tilespmem:$0x3790];
	[tilespmem:$0x3B00] =	vst v1;
	v1 =	vsub.f32 $-1.000000000e+00, v3;
	v3 =	vmul.f32 $5.000000000e-01, v37  }
0x43: {  	v43 =	vld [tilespmem:$0x37A0];
	[tilespmem:$0x3B10] =	vst v0;
	v0 =	vsub.f32 $-1.000000000e+00, v2;
	v2 =	vmul.f32 $5.000000000e-01, v38  }
0x44: {  	v44 =	vld [tilespmem:$0x37B0];
	[tilespmem:$0x3B20] =	vst v1;
	v1 =	vsub.f32 $-1.000000000e+00, v3;
	v3 =	vmul.f32 $5.000000000e-01, v39  }
0x45: {  	v45 =	vld [tilespmem:$0x37C0];
	[tilespmem:$0x3B30] =	vst v0;
	v0 =	vsub.f32 $-1.000000000e+00, v2;
	v2 =	vmul.f32 $5.000000000e-01, v40  }
0x46: {  	v46 =	vld [tilespmem:$0x37D0];
	[tilespmem:$0x3B40] =	vst v1;
	v1 =	vsub.f32 $-1.000000000e+00, v3;
	v3 =	vmul.f32 $5.000000000e-01, v41  }
0x47: {  	v47 =	vld [tilespmem:$0x37E0];
	[tilespmem:$0x3B50] =	vst v0;
	v0 =	vsub.f32 $-1.000000000e+00, v2;
	v2 =	vmul.f32 $5.000000000e-01, v42  }
0x48: {  	v48 =	vld [tilespmem:$0x37F0];
	[tilespmem:$0x3B60] =	vst v1;
	v1 =	vsub.f32 $-1.000000000e+00, v3;
	v3 =	vmul.f32 $5.000000000e-01, v43  }
0x49: {  	v49 =	vld [tilespmem:$0x3800];
	[tilespmem:$0x3B70] =	vst v0;
	v0 =	vsub.f32 $-1.000000000e+00, v2;
	v2 =	vmul.f32 $5.000000000e-01, v44  }
0x4a: {  	v50 =	vld [tilespmem:$0x3810];
	[tilespmem:$0x3B80] =	vst v1;
	v1 =	vsub.f32 $-1.000000000e+00, v3;
	v3 =	vmul.f32 $5.000000000e-01, v45  }
0x4b: {  	v51 =	vld [tilespmem:$0x3820];
	[tilespmem:$0x3B90] =	vst v0;
	v0 =	vsub.f32 $-1.000000000e+00, v2;
	v2 =	vmul.f32 $5.000000000e-01, v46  }
0x4c: {  	v52 =	vld [tilespmem:$0x3830];
	[tilespmem:$0x3BA0] =	vst v1;
	v1 =	vsub.f32 $-1.000000000e+00, v3;
	v3 =	vmul.f32 $5.000000000e-01, v47  }
0x4d: {  	v53 =	vld [tilespmem:$0x3840];
	[tilespmem:$0x3BB0] =	vst v0;
	v0 =	vsub.f32 $-1.000000000e+00, v2;
	v2 =	vmul.f32 $5.000000000e-01, v48  }
0x4e: {  	v54 =	vld [tilespmem:$0x3850];
	[tilespmem:$0x3BC0] =	vst v1;
	v1 =	vsub.f32 $-1.000000000e+00, v3;
	v3 =	vmul.f32 $5.000000000e-01, v49  }
0x4f: {  	v55 =	vld [tilespmem:$0x3860];
	[tilespmem:$0x3BD0] =	vst v0;
	v0 =	vsub.f32 $-1.000000000e+00, v2;
	v2 =	vmul.f32 $5.000000000e-01, v50  }
0x50: {  	v56 =	vld [tilespmem:$0x3870];
	[tilespmem:$0x3BE0] =	vst v1;
	v1 =	vsub.f32 $-1.000000000e+00, v3;
	v3 =	vmul.f32 $5.000000000e-01, v51  }
0x51: {  	v57 =	vld [tilespmem:$0x3880];
	[tilespmem:$0x3BF0] =	vst v0;
	v0 =	vsub.f32 $-1.000000000e+00, v2;
	v2 =	vmul.f32 $5.000000000e-01, v52  }
0x52: {  	v58 =	vld [tilespmem:$0x3890];
	[tilespmem:$0x3C00] =	vst v1;
	v1 =	vsub.f32 $-1.000000000e+00, v3;
	v3 =	vmul.f32 $5.000000000e-01, v53  }
0x53: {  	v59 =	vld [tilespmem:$0x38A0];
	[tilespmem:$0x3C10] =	vst v0;
	v0 =	vsub.f32 $-1.000000000e+00, v2;
	v2 =	vmul.f32 $5.000000000e-01, v54  }
0x54: {  	v60 =	vld [tilespmem:$0x38B0];
	[tilespmem:$0x3C20] =	vst v1;
	v1 =	vsub.f32 $-1.000000000e+00, v3;
	v3 =	vmul.f32 $5.000000000e-01, v55  }
0x55: {  	v61 =	vld [tilespmem:$0x38C0];
	[tilespmem:$0x3C30] =	vst v0;
	v0 =	vsub.f32 $-1.000000000e+00, v2;
	v2 =	vmul.f32 $5.000000000e-01, v56  }
0x56: {  	v62 =	vld [tilespmem:$0x38D0];
	[tilespmem:$0x3C40] =	vst v1;
	v1 =	vsub.f32 $-1.000000000e+00, v3;
	v3 =	vmul.f32 $5.000000000e-01, v57  }
0x57: {  	v63 =	vld [tilespmem:$0x38E0];
	[tilespmem:$0x3C50] =	vst v0;
	v0 =	vsub.f32 $-1.000000000e+00, v2;
	v2 =	vmul.f32 $5.000000000e-01, v58  }
0x58: {  	[tilespmem:$0x3C60] =	vst v1;
	v1 =	vsub.f32 $-1.000000000e+00, v3;
	v3 =	vmul.f32 $5.000000000e-01, v59  }
0x59: {  	[tilespmem:$0x3C70] =	vst v0;
	v0 =	vsub.f32 $-1.000000000e+00, v2;
	v2 =	vmul.f32 $5.000000000e-01, v60  }
0x5a: {  	[tilespmem:$0x3C80] =	vst v1;
	v1 =	vsub.f32 $-1.000000000e+00, v3;
	v3 =	vmul.f32 $5.000000000e-01, v61  }
0x5b: {  	[tilespmem:$0x3C90] =	vst v0;
	v0 =	vsub.f32 $-1.000000000e+00, v2;
	v2 =	vmul.f32 $5.000000000e-01, v62  }
0x5c: {  	[tilespmem:$0x3CA0] =	vst v1;
	v1 =	vsub.f32 $-1.000000000e+00, v3;
	v3 =	vmul.f32 $5.000000000e-01, v63  }
0x5d: {  	[tilespmem:$0x3CB0] =	vst v0;
	v0 =	vsub.f32 $-1.000000000e+00, v2  }
0x5e: {  	[tilespmem:$0x3CC0] =	vst v1;
	v1 =	vsub.f32 $-1.000000000e+00, v3  }
0x5f: {  	[tilespmem:$0x3CD0] =	vst v0  }
0x60: {  	s29 =	simm.s32 $0x1;
	[tilespmem:$0x3CE0] =	vst v1  }
0x61: {  	_ =	swait.ge [sflag:s29], $0x1880  }
0x62: {  	[sflag:s29] =	ssyncset.done $0x0  }
0x63: {  	s15 =	sadd.s32 s9, s12;
	s14 =	simm.s32 $0x4;
	[sflag:s29] =	ssyncadd.s32 $0xFFFFE780  }
0x64: {  	[spmem:s15] =	stream.linear.scatter [tilespmem:s11], [sflag:$0x4], $0x1880, $0x38;
	[tilespmem:$0x51F0] =	vst v63  }
0x65: {  	_ =	swait.ge [sflag:s14], $0x1880  }
0x66: {  	[sflag:s14] =	ssyncset.done $0x0  }
0x67: {  	[sflag:s14] =	ssyncadd.s32 $0xFFFFE780  }
0x68: {  	s16 =	simm.s32 $0x80;
	s17 =	simm.s32 $0x38F0;
	[bflag:$0x0] =	sbarrier.arrive $0xFFFF  }
0x69: {  	[spmem:s12] =	stream.indirect.scatter.add.f32 [tilespmem:s17], [sflag:$0x3], $0x1, s25, s16, $0xb8;
	[tilespmem:$0x51F0] =	vst v63  }
0x6a: {  	s30 =	simm.s32 $0x3170;
	s31 =	simm.s32 $0x3970  }
0x6b: {  	[spmem:s12] =	stream.indirect.scatter.add.f32 [tilespmem:s31], [sflag:$0x3], $0x1, s30, s16, $0xb8;
	[tilespmem:$0x51F0] =	vst v63  }
0x6c: {  	s18 =	simm.s32 $0x31F0;
	s19 =	simm.s32 $0x39F0  }
0x6d: {  	[spmem:s12] =	stream.indirect.scatter.add.f32 [tilespmem:s19], [sflag:$0x3], $0x1, s18, s16, $0xb8;
	[tilespmem:$0x51F0] =	vst v63  }
0x6e: {  	s20 =	simm.s32 $0x3270;
	s21 =	simm.s32 $0x3A70  }
0x6f: {  	[spmem:s12] =	stream.indirect.scatter.add.f32 [tilespmem:s21], [sflag:$0x3], $0x1, s20, s16, $0xb8;
	[tilespmem:$0x51F0] =	vst v63  }
0x70: {  	s22 =	simm.s32 $0x32F0;
	s23 =	simm.s32 $0x3AF0  }
0x71: {  	[spmem:s12] =	stream.indirect.scatter.add.f32 [tilespmem:s23], [sflag:$0x3], $0x1, s22, s16, $0xb8;
	[tilespmem:$0x51F0] =	vst v63  }
0x72: {  	s24 =	simm.s32 $0x3370;
	s25 =	simm.s32 $0x3B70  }
0x73: {  	[spmem:s12] =	stream.indirect.scatter.add.f32 [tilespmem:s25], [sflag:$0x3], $0x1, s24, s16, $0xb8;
	[tilespmem:$0x51F0] =	vst v63  }
0x74: {  	s26 =	simm.s32 $0x33F0;
	s28 =	simm.s32 $0x3BF0  }
0x75: {  	[spmem:s12] =	stream.indirect.scatter.add.f32 [tilespmem:s28], [sflag:$0x3], $0x1, s26, s16, $0xb8;
	[tilespmem:$0x51F0] =	vst v63  }
0x76: {  	s29 =	simm.s32 $0x3470;
	s30 =	simm.s32 $0x3C70;
	s31 =	simm.s32 $0x3  }
0x77: {  	[spmem:s12] =	stream.indirect.scatter.add.f32 [tilespmem:s30], [sflag:$0x3], $0x1, s29, s16, $0xb8;
	[tilespmem:$0x51F0] =	vst v63  }
0x78: {  	_ =	swait.ge [sflag:s31], $0x80  }
0x79: {  	[sflag:s31] =	ssyncset.done $0x0  }
0x7a: {  	[sflag:s31] =	ssyncadd.s32 $0xFFFFFF80  }
0x7b: {  	_ =	swait.ge [sflag:s31], $0x80  }
0x7c: {  	[sflag:s31] =	ssyncset.done $0x0  }
0x7d: {  	[sflag:s31] =	ssyncadd.s32 $0xFFFFFF80  }
0x7e: {  	_ =	swait.ge [sflag:s31], $0x80  }
0x7f: {  	[sflag:s31] =	ssyncset.done $0x0  }
0x80: {  	[sflag:s31] =	ssyncadd.s32 $0xFFFFFF80  }
0x81: {  	_ =	swait.ge [sflag:s31], $0x80  }
0x82: {  	[sflag:s31] =	ssyncset.done $0x0  }
0x83: {  	[sflag:s31] =	ssyncadd.s32 $0xFFFFFF80  }
0x84: {  	_ =	swait.ge [sflag:s31], $0x80  }
0x85: {  	[sflag:s31] =	ssyncset.done $0x0  }
0x86: {  	[sflag:s31] =	ssyncadd.s32 $0xFFFFFF80  }
0x87: {  	_ =	swait.ge [sflag:s31], $0x80  }
0x88: {  	[sflag:s31] =	ssyncset.done $0x0  }
0x89: {  	[sflag:s31] =	ssyncadd.s32 $0xFFFFFF80  }
0x8a: {  	_ =	swait.ge [sflag:s31], $0x80  }
0x8b: {  	[sflag:s31] =	ssyncset.done $0x0  }
0x8c: {  	[sflag:s31] =	ssyncadd.s32 $0xFFFFFF80  }
0x8d: {  	_ =	swait.ge [sflag:s31], $0x80  }
0x8e: {  	[sflag:s31] =	ssyncset.done $0x0  }
0x8f: {  	[sflag:s31] =	ssyncadd.s32 $0xFFFFFF80  }
0x90: {  	[bflag:$0x0] =	sbarrier.arrive $0xFFFF  }
0x91: {  	[tilespmem:s11], [sflag:$0x4] =	stream.linear.gather [spmem:s15], $0x1880, $0x38;
	[tilespmem:$0x51F0] =	vst v63  }
0x92: {  	_ =	swait.ge [sflag:s14], $0x1880  }
0x93: {  	[sflag:s14] =	ssyncset.done $0x0  }
0x94: {  	[sflag:s14] =	ssyncadd.s32 $0xFFFFE780  }
0x95: {  	v1 =	vld [tilespmem:s11+$0x0];
	_ =	sdelay $0x3  }
0x96: {  	v2 =	vimm.f32 $-3.000000010e+38  }
0x97: {  	v0 =	vimm.s32 $0x0;
	s12 =	simm.s32 $0x1880;
	s11 =	simm.s32 $0x1;
	vm0 =	vgt.f32 v1, v2  }
.LBB2_1:
0x98: {  	p0 =	sne.s32 s11, $0x187;
	v2 =	vsel vm0, v1, v2;
	v1 =	vld [tilespmem:s12+$0x0];
	v0 =	vsel vm0, s10, v0;
	s10 =	smov.u32 s11;
	s11 =	sadd.s32 $0x1, s11  }
.Ltmp0:
0x99: {  	(pc) =	sbr.rel @p0 .LBB2_1-.Ltmp0, $2  }
0x9a: {  	_ =	sdelay $0x2  }
0x9b: {  	s12 =	sadd.s32 $0x10, s12;
	vm0 =	vgt.f32 v1, v2  }
0x9c: {  	v1 =	vsel vm0, v1, v2  }
0x9d: {  	(xrf0) =	vmax.scan.msk.f32 $0xffff, v1;
	_ =	sdelay $0x4  }
0x9e: {  	v0 =	vsel vm0, s10, v0  }
0x9f: {  	v0 =	vshll.u32 v0, $0x4;
	v46, _, _ =	vpop (xrf0)  }
0xa0: {  	v3 =	vlaneseq.u32;
	v0 =	vadd.s32 s9, v0;
	v2 =	vbroadcast v46, $0xF  }
0xa1: {  	v0 =	vadd.s32 v3, v0  }
0xa2: {  	v0 =	vxor.u32 $0x80000000, v0;
	vm9 =	veq.f32 v1, v2  }
0xa3: {  	v0 =	vnsel vm9, $0xFFFFFFFF, v0  }
0xa4: {  	(xrf0) =	vmin.scan.msk.u32 $0xffff, v0;
	_ =	sdelay $0x5  }
0xa5: {  	v0, _, _ =	vpop (xrf0)  }
0xa6: {  	(v2sf) =	vpush v0, $0xF;
	_ =	sdelay $0xe  }
0xa7: {  	s6 =	sadd.s32 s5, s6;
	v47 =	vmov s3;
	s18 =	spop (v2sf)  }
0xa8: {  	s20 =	simm.s32 $0x0;
	s21 =	simm.s32 $0x1870;
	vm10 =	veq.s32 v47, v3;
	s19 =	sxor.u32 $0x80000000, s18  }
0xa9: {  	[hbm4b:s6+s20] =	stream.linear.scatter [tilespmem:s21], [sflag:$0x1], $0x1880, $0x38;
	v0 =	vnsel vm10, $0xFF61B1E6, v2;
	v48 =	vmov s19;
	[tilespmem:$0x51F0] =	vst v63  }
0xaa: {  	s22 =	sshll.u32 s3, $0x4;
	[tilespmem:$0x3CF0] =	vst v0;
	v49 =	vnsel vm10, $0x7FFFFFFF, v48  }
0xab: {  	s24 =	simm.s32 $0x3CF0;
	s25 =	simm.s32 $0x4;
	s23 =	sadd.s32 s8, s22;
	[tilespmem:$0x3D70] =	vst v49  }
0xac: {  	[hbm4b:s23+s20] =	stream.linear.scatter [tilespmem:s24], [sflag:$0x4], $0x80, $0x38;
	[tilespmem:$0x51F0] =	vst v63  }
0xad: {  	_ =	swait.ge [sflag:s25], $0x80  }
0xae: {  	[sflag:s25] =	ssyncset.done $0x0  }
0xaf: {  	s26 =	simm.s32 $0x3D70;
	s9 =	sadd.s32 s7, s22;
	[sflag:s25] =	ssyncadd.s32 $0xFFFFFF80  }
0xb0: {  	[hbm4b:s9+s20] =	stream.linear.scatter [tilespmem:s26], [sflag:$0x4], $0x80, $0x38;
	[tilespmem:$0x51F0] =	vst v63  }
0xb1: {  	_ =	swait.ge [sflag:s25], $0x80  }
0xb2: {  	[sflag:s25] =	ssyncset.done $0x0  }
0xb3: {  	[sflag:s25] =	ssyncadd.s32 $0xFFFFFF80  }
0xb4: {  	s28 =	simm.s32 $0x3DF0;
	[bflag:$0x0] =	sbarrier.arrive $0xFFFF  }
0xb5: {  	[tilespmem:s28], [sflag:$0x4] =	stream.linear.gather [hbm4b:s8+s20], $0x800, $0x38;
	[tilespmem:$0x51F0] =	vst v63  }
0xb6: {  	_ =	swait.ge [sflag:s25], $0x800  }
0xb7: {  	[sflag:s25] =	ssyncset.done $0x0  }
0xb8: {  	s29 =	simm.s32 $0x45F0;
	[sflag:s25] =	ssyncadd.s32 $0xFFFFF800  }
0xb9: {  	[tilespmem:s29], [sflag:$0x4] =	stream.linear.gather [hbm4b:s7+s20], $0x800, $0x38;
	[tilespmem:$0x51F0] =	vst v63  }
0xba: {  	_ =	swait.ge [sflag:s25], $0x800  }
0xbb: {  	[sflag:s25] =	ssyncset.done $0x0  }
0xbc: {  	[sflag:s25] =	ssyncadd.s32 $0xFFFFF800  }
0xbd: {  	v50 =	vld [tilespmem:$0x3DF0]  }
0xbe: {  	v51 =	vld [tilespmem:$0x45F0]  }
0xbf: {  	v52 =	vld [tilespmem:$0x3E70]  }
0xc0: {  	v53 =	vld [tilespmem:$0x4670]  }
0xc1: {  	v4 =	vld [tilespmem:$0x3EF0]  }
0xc2: {  	v5 =	vld [tilespmem:$0x46F0]  }
0xc3: {  	v6 =	vld [tilespmem:$0x3F70]  }
0xc4: {  	v7 =	vld [tilespmem:$0x4770]  }
0xc5: {  	v8 =	vld [tilespmem:$0x3FF0]  }
0xc6: {  	v9 =	vld [tilespmem:$0x47F0]  }
0xc7: {  	v10 =	vld [tilespmem:$0x4070]  }
0xc8: {  	v11 =	vld [tilespmem:$0x4870]  }
0xc9: {  	v12 =	vld [tilespmem:$0x40F0]  }
0xca: {  	v13 =	vld [tilespmem:$0x48F0]  }
0xcb: {  	v14 =	vld [tilespmem:$0x4170]  }
0xcc: {  	v15 =	vld [tilespmem:$0x4970]  }
0xcd: {  	v16 =	vld [tilespmem:$0x41F0]  }
0xce: {  	v17 =	vld [tilespmem:$0x49F0]  }
0xcf: {  	v18 =	vld [tilespmem:$0x4270]  }
0xd0: {  	v19 =	vld [tilespmem:$0x4A70]  }
0xd1: {  	v20 =	vld [tilespmem:$0x42F0]  }
0xd2: {  	v21 =	vld [tilespmem:$0x4AF0]  }
0xd3: {  	v22 =	vld [tilespmem:$0x4370]  }
0xd4: {  	v23 =	vld [tilespmem:$0x4B70]  }
0xd5: {  	v24 =	vld [tilespmem:$0x43F0]  }
0xd6: {  	v54 =	vld [tilespmem:$0x4BF0]  }
0xd7: {  	v25 =	vld [tilespmem:$0x4470]  }
0xd8: {  	v55 =	vld [tilespmem:$0x4C70]  }
0xd9: {  	v26 =	vld [tilespmem:$0x44F0]  }
0xda: {  	v57 =	vld [tilespmem:$0x4CF0]  }
0xdb: {  	v58 =	vld [tilespmem:$0x4570];
	vm11 =	vlt.s32 v51, v53  }
0xdc: {  	v59 =	vld [tilespmem:$0x4D70];
	v1 =	vsel vm11, v51, v53  }
0xdd: {  	v60 =	vld [tilespmem:$0x30F0];
	vm0 =	vlt.s32 v1, v5  }
0xde: {  	v61 =	vld [tilespmem:$0x34F0];
	v1 =	vsel vm0, v1, v5  }
0xdf: {  	v62 =	vld [tilespmem:$0x3500];
	vm0 =	vlt.s32 v1, v7  }
0xe0: {  	v63 =	vld [tilespmem:$0x3510];
	v1 =	vsel vm0, v1, v7  }
0xe1: {  	v56 =	vld [tilespmem:$0x3530];
	v0 =	vmax.f32 v50, v52;
	vm0 =	vlt.s32 v1, v9  }
0xe2: {  	v27 =	vld [tilespmem:$0x3190];
	v0 =	vmax.f32 v0, v4;
	v1 =	vsel vm0, v1, v9  }
0xe3: {  	v28 =	vld [tilespmem:$0x3590];
	v0 =	vmax.f32 v0, v6;
	vm0 =	vlt.s32 v1, v11  }
0xe4: {  	v29 =	vld [tilespmem:$0x31A0];
	v0 =	vmax.f32 v0, v8;
	v1 =	vsel vm0, v1, v11  }
0xe5: {  	v30 =	vld [tilespmem:$0x35A0];
	v0 =	vmax.f32 v0, v10;
	vm0 =	vlt.s32 v1, v13  }
0xe6: {  	v31 =	vld [tilespmem:$0x31B0];
	v0 =	vmax.f32 v0, v12;
	v1 =	vsel vm0, v1, v13  }
0xe7: {  	v32 =	vld [tilespmem:$0x35B0];
	v0 =	vmax.f32 v0, v14;
	vm0 =	vlt.s32 v1, v15  }
0xe8: {  	v33 =	vld [tilespmem:$0x31C0];
	v0 =	vmax.f32 v0, v16;
	v1 =	vsel vm0, v1, v15  }
0xe9: {  	v34 =	vld [tilespmem:$0x35C0];
	v0 =	vmax.f32 v0, v18;
	vm0 =	vlt.s32 v1, v17  }
0xea: {  	v35 =	vld [tilespmem:$0x31D0];
	v0 =	vmax.f32 v0, v20;
	v1 =	vsel vm0, v1, v17  }
0xeb: {  	v36 =	vld [tilespmem:$0x35D0];
	v0 =	vmax.f32 v0, v22;
	vm0 =	vlt.s32 v1, v19  }
0xec: {  	v37 =	vld [tilespmem:$0x31E0];
	v0 =	vmax.f32 v0, v24;
	v1 =	vsel vm0, v1, v19  }
0xed: {  	v38 =	vld [tilespmem:$0x35E0];
	v0 =	vmax.f32 v0, v25;
	vm0 =	vlt.s32 v1, v21  }
0xee: {  	v39 =	vld [tilespmem:$0x31F0];
	v0 =	vmax.f32 v0, v26;
	v1 =	vsel vm0, v1, v21  }
0xef: {  	v40 =	vld [tilespmem:$0x35F0];
	v0 =	vmax.f32 v0, v58;
	vm0 =	vlt.s32 v1, v23  }
0xf0: {  	v41 =	vld [tilespmem:$0x3200];
	(xrf0) =	vmax.scan.msk.f32 $0xffff, v0;
	v1 =	vsel vm0, v1, v23  }
0xf1: {  	v42 =	vld [tilespmem:$0x3600];
	vm0 =	vlt.s32 v1, v54  }
0xf2: {  	v43 =	vld [tilespmem:$0x3210];
	v1 =	vsel vm0, v1, v54  }
0xf3: {  	v44 =	vld [tilespmem:$0x3610];
	vm0 =	vlt.s32 v1, v55  }
0xf4: {  	v45 =	vld [tilespmem:$0x3220];
	v1 =	vsel vm0, v1, v55  }
0xf5: {  	v46 =	vld [tilespmem:$0x3620];
	vm0 =	vlt.s32 v1, v57  }
0xf6: {  	v47 =	vld [tilespmem:$0x3230];
	v1 =	vsel vm0, v1, v57;
	v57, _, _ =	vpop (xrf0)  }
0xf7: {  	v48 =	vld [tilespmem:$0x3630];
	vm0 =	vlt.s32 v1, v59;
	v2 =	vbroadcast v57, $0xF  }
0xf8: {  	v49 =	vld [tilespmem:$0x3240];
	v1 =	vsel vm0, v1, v59  }
0xf9: {  	v3 =	vld [tilespmem:$0x3290];
	vm12 =	veq.f32 v0, v2;
	v58 =	vxor.u32 $0x80000000, v1  }
0xfa: {  	v50 =	vld [tilespmem:$0x3640];
	v0 =	vnsel vm12, $0xFFFFFFFF, v58  }
0xfb: {  	v52 =	vld [tilespmem:$0x3650];
	(xrf0) =	vmin.scan.msk.u32 $0xffff, v0  }
0xfc: {  	v51 =	vld [tilespmem:$0x3250]  }
0xfd: {  	v4 =	vld [tilespmem:$0x3660]  }
0xfe: {  	v6 =	vld [tilespmem:$0x32A0]  }
0xff: {  	v8 =	vld [tilespmem:$0x3670]  }
0x100: {  	v5 =	vld [tilespmem:$0x3280]  }
0x101: {  	v7 =	vld [tilespmem:$0x32C0];
	v0, _, _ =	vpop (xrf0)  }
0x102: {  	v14 =	vld [tilespmem:$0x3520];
	(v2sf) =	vpush v0, $0xF  }
0x103: {  	v9 =	vld [tilespmem:$0x3100]  }
0x104: {  	v18 =	vld [tilespmem:$0x3540]  }
0x105: {  	v11 =	vld [tilespmem:$0x3110]  }
0x106: {  	v20 =	vld [tilespmem:$0x3550]  }
0x107: {  	v22 =	vld [tilespmem:$0x3560]  }
0x108: {  	v13 =	vld [tilespmem:$0x3120]  }
0x109: {  	v24 =	vld [tilespmem:$0x3570]  }
0x10a: {  	v25 =	vld [tilespmem:$0x3180]  }
0x10b: {  	v63 =	vmul.f32 $8.999999760e-01, v63;
	v56 =	vmul.f32 $8.999999760e-01, v56;
	v15 =	vld [tilespmem:$0x3130]  }
0x10c: {  	v28 =	vmul.f32 $8.999999760e-01, v28;
	v32 =	vmul.f32 $8.999999760e-01, v32;
	v17 =	vld [tilespmem:$0x3140]  }
0x10d: {  	v34 =	vmul.f32 $8.999999760e-01, v34;
	v55 =	vmul.f32 $8.999999760e-01, v14;
	v14 =	vld [tilespmem:$0x36A0]  }
0x10e: {  	v38 =	vmul.f32 $8.999999760e-01, v38;
	v40 =	vmul.f32 $8.999999760e-01, v40;
	v19 =	vld [tilespmem:$0x3150]  }
0x10f: {  	v44 =	vmul.f32 $8.999999760e-01, v44;
	v46 =	vmul.f32 $8.999999760e-01, v46;
	v21 =	vld [tilespmem:$0x3160]  }
0x110: {  	v4 =	vmul.f32 $8.999999760e-01, v4;
	v8 =	vmul.f32 $8.999999760e-01, v8;
	v23 =	vld [tilespmem:$0x3170]  }
0x111: {  	v26 =	vld [tilespmem:$0x3580];
	v59 =	vmul.f32 $8.999999760e-01, v61;
	v61 =	vmul.f32 $8.999999760e-01, v62;
	s30 =	spop (v2sf)  }
0x112: {  	v1 =	vld [tilespmem:$0x3260];
	v14 =	vmul.f32 $8.999999760e-01, v14;
	v58 =	vmul.f32 $8.999999760e-01, v18;
	v0 =	vimm.f32 $0.0e+00;
	s7 =	sxor.u32 $0x80000000, s30  }
0x113: {  	v2 =	vld [tilespmem:$0x3270];
	vm13 =	veq.s32 v60, s7;
	vm14 =	veq.s32 v9, s7;
	vm15 =	veq.s32 v11, s7  }
0x114: {  	v18 =	vld [tilespmem:$0x32B0];
	vm4 =	veq.s32 v13, s7;
	vm5 =	veq.s32 v15, s7;
	vm6 =	veq.s32 v17, s7  }
0x115: {  	v11 =	vld [tilespmem:$0x3680];
	vm7 =	veq.s32 v19, s7;
	vm8 =	veq.s32 v21, s7;
	vm9 =	veq.s32 v23, s7  }
0x116: {  	v9 =	vld [tilespmem:$0x3690];
	vm10 =	veq.s32 v25, s7;
	vm11 =	veq.s32 v27, s7;
	vm12 =	veq.s32 v29, s7  }
0x117: {  	v21 =	vld [tilespmem:$0x36B0];
	v60 =	vsel vm13, $0x3F800000, v0;
	v62 =	vsel vm14, $0x3F800000, v0;
	v54 =	vsel vm15, $0x3F800000, v0  }
0x118: {  	v25 =	vld [tilespmem:$0x32D0];
	v13 =	vsel vm4, $0x3F800000, v0;
	v57 =	vsel vm5, $0x3F800000, v0;
	v19 =	vsel vm7, $0x3F800000, v0  }
0x119: {  	v27 =	vld [tilespmem:$0x36D0];
	v23 =	vsel vm9, $0x3F800000, v0;
	vm13 =	veq.s32 v31, s7;
	vm14 =	veq.s32 v33, s7  }
0x11a: {  	v29 =	vld [tilespmem:$0x36E0];
	vm15 =	veq.s32 v35, s7;
	vm4 =	veq.s32 v37, s7;
	vm5 =	veq.s32 v39, s7  }
0x11b: {  	v31 =	vld [tilespmem:$0x32F0];
	vm7 =	veq.s32 v43, s7;
	v10 =	vadd.f32 v60, v59;
	v53 =	vadd.f32 v62, v61  }
0x11c: {  	v33 =	vld [tilespmem:$0x36F0];
	vm9 =	veq.s32 v47, s7;
	v15 =	vadd.f32 v54, v63;
	v12 =	vadd.f32 v13, v55  }
0x11d: {  	v35 =	vld [tilespmem:$0x3700];
	v13 =	vadd.f32 v57, v56;
	v59 =	vsel vm6, $0x3F800000, v0;
	v60 =	vmul.f32 $8.999999760e-01, v20  }
0x11e: {  	v37 =	vld [tilespmem:$0x3310];
	v61 =	vmul.f32 $8.999999760e-01, v22;
	v62 =	vsel vm8, $0x3F800000, v0;
	v63 =	vmul.f32 $8.999999760e-01, v24  }
0x11f: {  	v39 =	vld [tilespmem:$0x3710];
	v54 =	vmul.f32 $8.999999760e-01, v26;
	v55 =	vsel vm10, $0x3F800000, v0;
	v56 =	vsel vm11, $0x3F800000, v0  }
0x120: {  	v43 =	vld [tilespmem:$0x3330];
	v57 =	vmul.f32 $8.999999760e-01, v30;
	vm6 =	veq.s32 v41, s7;
	vm8 =	veq.s32 v45, s7  }
0x121: {  	v22 =	vld [tilespmem:$0x36C0];
	vm10 =	veq.s32 v49, s7;
	vm11 =	veq.s32 v51, s7;
	v16 =	vadd.f32 v59, v58  }
0x122: {  	v26 =	vld [tilespmem:$0x32E0];
	v24 =	vadd.f32 v56, v28;
	v58 =	vsel vm12, $0x3F800000, v0;
	v59 =	vsel vm14, $0x3F800000, v0  }
0x123: {  	v41 =	vld [tilespmem:$0x3720];
	v56 =	vsel vm6, $0x3F800000, v0;
	vm12 =	veq.s32 v1, s7;
	vm14 =	veq.s32 v5, s7  }
0x124: {  	v45 =	vld [tilespmem:$0x3730];
	vm6 =	veq.s32 v7, s7;
	v17 =	vadd.f32 v19, v60;
	v19 =	vadd.f32 v62, v61  }
0x125: {  	v1 =	vld [tilespmem:$0x3760];
	v20 =	vadd.f32 v23, v63;
	v23 =	vadd.f32 v55, v54;
	v54 =	vsel vm13, $0x3F800000, v0  }
0x126: {  	v5 =	vld [tilespmem:$0x3770];
	v28 =	vadd.f32 v58, v57;
	v60 =	vmul.f32 $8.999999760e-01, v36;
	v61 =	vsel vm15, $0x3F800000, v0;
	[tilespmem:$0x4DF0] =	vst v10  }
0x127: {  	v7 =	vld [tilespmem:$0x37A0];
	v55 =	vsel vm4, $0x3F800000, v0;
	v62 =	vsel vm5, $0x3F800000, v0;
	v63 =	vmul.f32 $8.999999760e-01, v42;
	[tilespmem:$0x4E00] =	vst v53  }
0x128: {  	v57 =	vsel vm7, $0x3F800000, v0;
	v58 =	vsel vm8, $0x3F800000, v0;
	[tilespmem:$0x4E10] =	vst v15;
	v42 =	vld [tilespmem:$0x3360];
	v53 =	vsel vm12, $0x3F800000, v0  }
0x129: {  	[tilespmem:$0x4E20] =	vst v12;
	vm13 =	veq.s32 v2, s7;
	v2 =	vld [tilespmem:$0x3370];
	vm15 =	veq.s32 v3, s7;
	v30 =	vadd.f32 v54, v32  }
0x12a: {  	[tilespmem:$0x4E30] =	vst v13;
	v3 =	vld [tilespmem:$0x3780];
	vm4 =	veq.s32 v6, s7;
	v32 =	vadd.f32 v59, v34;
	v36 =	vadd.f32 v55, v38  }
0x12b: {  	v6 =	vld [tilespmem:$0x3390];
	vm5 =	veq.s32 v18, s7;
	v38 =	vadd.f32 v62, v40;
	v10 =	vadd.f32 v57, v44;
	[tilespmem:$0x4E40] =	vst v16  }
0x12c: {  	v18 =	vld [tilespmem:$0x3790];
	v15 =	vadd.f32 v58, v46;
	v59 =	vmul.f32 $8.999999760e-01, v48;
	v62 =	vsel vm10, $0x3F800000, v0;
	[tilespmem:$0x4E90] =	vst v24  }
0x12d: {  	v54 =	vld [tilespmem:$0x3300];
	v11 =	vmul.f32 $8.999999760e-01, v11;
	v4 =	vadd.f32 v53, v4;
	v57 =	vsel vm14, $0x3F800000, v0;
	[tilespmem:$0x4E50] =	vst v17  }
0x12e: {  	v55 =	vld [tilespmem:$0x3320];
	v9 =	vmul.f32 $8.999999760e-01, v9;
	v58 =	vsel vm15, $0x3F800000, v0;
	v21 =	vmul.f32 $8.999999760e-01, v21;
	[tilespmem:$0x4E60] =	vst v19  }
0x12f: {  	v44 =	vld [tilespmem:$0x3340];
	vm7 =	veq.s32 v25, s7;
	v34 =	vadd.f32 v61, v60;
	v40 =	vadd.f32 v56, v63;
	[tilespmem:$0x4E70] =	vst v20  }
0x130: {  	v46 =	vld [tilespmem:$0x3740];
	v60 =	vsel vm9, $0x3F800000, v0;
	v61 =	vmul.f32 $8.999999760e-01, v50;
	v63 =	vmul.f32 $8.999999760e-01, v52;
	[tilespmem:$0x4E80] =	vst v23  }
0x131: {  	v48 =	vld [tilespmem:$0x3350];
	v52 =	vsel vm11, $0x3F800000, v0;
	v56 =	vsel vm13, $0x3F800000, v0;
	[tilespmem:$0x4EA0] =	vst v28;
	v25 =	vsel vm7, $0x3F800000, v0  }
0x132: {  	v24 =	vld [tilespmem:$0x33B0];
	vm9 =	veq.s32 v31, s7;
	v47 =	vmul.f32 $8.999999760e-01, v39;
	vm11 =	veq.s32 v37, s7;
	[tilespmem:$0x4EB0] =	vst v30  }
0x133: {  	v50 =	vld [tilespmem:$0x3750];
	vm13 =	veq.s32 v43, s7;
	v12 =	vadd.f32 v60, v59;
	v8 =	vadd.f32 v56, v8;
	[tilespmem:$0x4EC0] =	vst v32  }
0x134: {  	v19 =	vld [tilespmem:$0x3380];
	v11 =	vadd.f32 v57, v11;
	v59 =	vsel vm4, $0x3F800000, v0;
	v9 =	vadd.f32 v58, v9;
	[tilespmem:$0x4EE0] =	vst v36  }
0x135: {  	v20 =	vld [tilespmem:$0x33A0];
	v60 =	vsel vm5, $0x3F800000, v0;
	[tilespmem:$0x4EF0] =	vst v38;
	v30 =	vmul.f32 $8.999999760e-01, v29;
	vm8 =	veq.s32 v26, s7  }
0x136: {  	v31 =	vld [tilespmem:$0x37D0];
	[tilespmem:$0x4F10] =	vst v10;
	v36 =	vsel vm9, $0x3F800000, v0;
	v38 =	vmul.f32 $8.999999760e-01, v35;
	v13 =	vadd.f32 v62, v61  }
0x137: {  	v23 =	vld [tilespmem:$0x33E0];
	[tilespmem:$0x4F20] =	vst v15;
	v51 =	vsel vm11, $0x3F800000, v0;
	v16 =	vadd.f32 v52, v63;
	v14 =	vadd.f32 v59, v14  }
0x138: {  	v28 =	vld [tilespmem:$0x37E0];
	[tilespmem:$0x4F60] =	vst v4;
	v17 =	vadd.f32 v60, v21;
	v61 =	vmul.f32 $8.999999760e-01, v22;
	v62 =	vsel vm6, $0x3F800000, v0  }
0x139: {  	v43 =	vld [tilespmem:$0x3440];
	[tilespmem:$0x4ED0] =	vst v34;
	v63 =	vmul.f32 $8.999999760e-01, v27;
	v32 =	vsel vm8, $0x3F800000, v0;
	v34 =	vmul.f32 $8.999999760e-01, v33  }
0x13a: {  	v26 =	vld [tilespmem:$0x37B0];
	[tilespmem:$0x4F00] =	vst v40;
	v15 =	vadd.f32 v51, v47;
	v52 =	vmul.f32 $8.999999760e-01, v41;
	v1 =	vmul.f32 $8.999999760e-01, v1  }
0x13b: {  	v29 =	vld [tilespmem:$0x33D0];
	v5 =	vmul.f32 $8.999999760e-01, v5;
	v7 =	vmul.f32 $8.999999760e-01, v7;
	v10 =	vadd.f32 v32, v30;
	[tilespmem:$0x4F30] =	vst v12  }
0x13c: {  	v57 =	vld [tilespmem:$0x37F0];
	[tilespmem:$0x4F70] =	vst v8;
	vm4 =	veq.s32 v42, s7;
	vm5 =	veq.s32 v2, s7;
	v3 =	vmul.f32 $8.999999760e-01, v3  }
0x13d: {  	v35 =	vld [tilespmem:$0x3420];
	[tilespmem:$0x4F80] =	vst v11;
	v18 =	vmul.f32 $8.999999760e-01, v18;
	vm7 =	veq.s32 v6, s7;
	v21 =	vadd.f32 v62, v61  }
0x13e: {  	v27 =	vld [tilespmem:$0x37C0];
	[tilespmem:$0x4F90] =	vst v9;
	v22 =	vadd.f32 v25, v63;
	vm10 =	veq.s32 v54, s7;
	v49 =	vadd.f32 v36, v34  }
0x13f: {  	v33 =	vld [tilespmem:$0x3410];
	[tilespmem:$0x4F40] =	vst v13;
	vm12 =	veq.s32 v55, s7;
	v54 =	vmul.f32 $8.999999760e-01, v45;
	v55 =	vsel vm13, $0x3F800000, v0  }
0x140: {  	v51 =	vld [tilespmem:$0x3850];
	[tilespmem:$0x4F50] =	vst v16;
	v56 =	vmul.f32 $8.999999760e-01, v46;
	vm14 =	veq.s32 v44, s7;
	vm15 =	veq.s32 v48, s7  }
0x141: {  	v32 =	vld [tilespmem:$0x33F0];
	[tilespmem:$0x4FA0] =	vst v14;
	v63 =	vsel vm4, $0x3F800000, v0;
	v39 =	vsel vm7, $0x3F800000, v0;
	vm9 =	veq.s32 v24, s7  }
0x142: {  	v2 =	vld [tilespmem:$0x3810];
	[tilespmem:$0x4FB0] =	vst v17;
	v40 =	vsel vm10, $0x3F800000, v0;
	v53 =	vsel vm12, $0x3F800000, v0;
	v58 =	vsel vm14, $0x3F800000, v0  }
0x143: {  	v30 =	vld [tilespmem:$0x34A0];
	[tilespmem:$0x5010] =	vst v15;
	v60 =	vmul.f32 $8.999999760e-01, v50;
	v62 =	vsel vm15, $0x3F800000, v0;
	v1 =	vadd.f32 v63, v1  }
0x144: {  	v25 =	vld [tilespmem:$0x33C0];
	vm6 =	veq.s32 v19, s7;
	[tilespmem:$0x4FE0] =	vst v10;
	vm8 =	veq.s32 v20, s7;
	v41 =	vadd.f32 v39, v18  }
0x145: {  	v16 =	vld [tilespmem:$0x3400];
	v46 =	vsel vm9, $0x3F800000, v0;
	v50 =	vmul.f32 $8.999999760e-01, v31;
	v12 =	vadd.f32 v40, v38;
	[tilespmem:$0x4FC0] =	vst v21  }
0x146: {  	v61 =	vld [tilespmem:$0x3800];
	vm12 =	veq.s32 v23, s7;
	v4 =	vadd.f32 v53, v52;
	v8 =	vadd.f32 v55, v54;
	[tilespmem:$0x4FD0] =	vst v22  }
0x147: {  	v36 =	vld [tilespmem:$0x3820];
	v59 =	vadd.f32 v58, v56;
	v21 =	vsel vm5, $0x3F800000, v0;
	v37 =	vsel vm6, $0x3F800000, v0;
	[tilespmem:$0x4FF0] =	vst v49  }
0x148: {  	v45 =	vld [tilespmem:$0x3840];
	v42 =	vsel vm8, $0x3F800000, v0;
	v44 =	vmul.f32 $8.999999760e-01, v26;
	vm11 =	veq.s32 v29, s7;
	[tilespmem:$0x5060] =	vst v1  }
0x149: {  	v48 =	vld [tilespmem:$0x3450];
	v54 =	vmul.f32 $8.999999760e-01, v28;
	v56 =	vsel vm12, $0x3F800000, v0;
	v57 =	vmul.f32 $8.999999760e-01, v57;
	[tilespmem:$0x5090] =	vst v41  }
0x14a: {  	v24 =	vld [tilespmem:$0x3880];
	vm4 =	veq.s32 v35, s7;
	v11 =	vadd.f32 v62, v60;
	v5 =	vadd.f32 v21, v5;
	[tilespmem:$0x5000] =	vst v12  }
0x14b: {  	v39 =	vld [tilespmem:$0x34C0];
	vm6 =	veq.s32 v43, s7;
	v3 =	vadd.f32 v37, v3;
	v7 =	vadd.f32 v42, v7;
	[tilespmem:$0x5020] =	vst v4  }
0x14c: {  	v38 =	vld [tilespmem:$0x3430];
	v47 =	vmul.f32 $8.999999760e-01, v27;
	v52 =	vsel vm11, $0x3F800000, v0;
	vm15 =	veq.s32 v33, s7;
	[tilespmem:$0x5030] =	vst v8  }
0x14d: {  	v40 =	vld [tilespmem:$0x3830];
	v27 =	vsel vm4, $0x3F800000, v0;
	v33 =	vsel vm6, $0x3F800000, v0;
	v34 =	vmul.f32 $8.999999760e-01, v51;
	[tilespmem:$0x5040] =	vst v59  }
0x14e: {  	v53 =	vld [tilespmem:$0x3460];
	v4 =	vadd.f32 v46, v44;
	v9 =	vadd.f32 v52, v50;
	vm13 =	veq.s32 v32, s7;
	[tilespmem:$0x5050] =	vst v11  }
0x14f: {  	v55 =	vld [tilespmem:$0x3860];
	v1 =	vadd.f32 v56, v54;
	v2 =	vmul.f32 $8.999999760e-01, v2;
	vm12 =	veq.s32 v30, s7;
	[tilespmem:$0x5070] =	vst v5  }
0x150: {  	v58 =	vld [tilespmem:$0x3470];
	vm10 =	veq.s32 v25, s7;
	v59 =	vsel vm13, $0x3F800000, v0;
	v60 =	vmul.f32 $8.999999760e-01, v61;
	[tilespmem:$0x5080] =	vst v3  }
0x151: {  	v26 =	vld [tilespmem:$0x3490];
	vm14 =	veq.s32 v16, s7;
	[tilespmem:$0x50A0] =	vst v7;
	v25 =	vsel vm15, $0x3F800000, v0;
	v14 =	vmul.f32 $8.999999760e-01, v36  }
0x152: {  	v28 =	vld [tilespmem:$0x3890];
	v31 =	vmul.f32 $8.999999760e-01, v45;
	vm7 =	veq.s32 v48, s7;
	v10 =	vmul.f32 $8.999999760e-01, v24;
	[tilespmem:$0x50B0] =	vst v4  }
0x153: {  	v35 =	vld [tilespmem:$0x34B0];
	v54 =	vsel vm12, $0x3F800000, v0;
	v49 =	vsel vm10, $0x3F800000, v0;
	v62 =	vadd.f32 v59, v57;
	[tilespmem:$0x50D0] =	vst v9  }
0x154: {  	v21 =	vld [tilespmem:$0x3480];
	v63 =	vsel vm14, $0x3F800000, v0;
	v2 =	vadd.f32 v25, v2;
	[tilespmem:$0x50E0] =	vst v1;
	v36 =	vsel vm7, $0x3F800000, v0  }
0x155: {  	v37 =	vld [tilespmem:$0x38B0];
	vm13 =	veq.s32 v39, s7;
	v8 =	vadd.f32 v49, v47;
	v5 =	vadd.f32 v63, v60;
	[tilespmem:$0x50F0] =	vst v62  }
0x156: {  	v42 =	vld [tilespmem:$0x38C0];
	v19 =	vmul.f32 $8.999999760e-01, v40;
	vm5 =	veq.s32 v38, s7;
	v4 =	vadd.f32 v27, v14;
	[tilespmem:$0x5110] =	vst v2  }
0x157: {  	v32 =	vld [tilespmem:$0x38A0];
	v18 =	vmul.f32 $8.999999760e-01, v55;
	vm8 =	veq.s32 v53, s7;
	v1 =	vadd.f32 v33, v31;
	[tilespmem:$0x50C0] =	vst v8  }
0x158: {  	v44 =	vld [tilespmem:$0x34D0];
	v3 =	vadd.f32 v36, v34;
	vm9 =	veq.s32 v58, s7;
	v6 =	vmul.f32 $8.999999760e-01, v28;
	[tilespmem:$0x5100] =	vst v5  }
0x159: {  	v46 =	vld [tilespmem:$0x38D0];
	vm11 =	veq.s32 v26, s7;
	vm1 =	veq.s32 v35, s7;
	v29 =	vsel vm5, $0x3F800000, v0;
	[tilespmem:$0x5120] =	vst v4  }
0x15a: {  	v50 =	vld [tilespmem:$0x34E0];
	v58 =	vsel vm13, $0x3F800000, v0;
	v38 =	vsel vm8, $0x3F800000, v0;
	v7 =	vadd.f32 v29, v19;
	[tilespmem:$0x5140] =	vst v1  }
0x15b: {  	v61 =	vld [tilespmem:$0x3870];
	vm10 =	veq.s32 v21, s7;
	v49 =	vsel vm11, $0x3F800000, v0;
	v40 =	vadd.f32 v38, v18;
	[tilespmem:$0x5150] =	vst v3  }
0x15c: {  	v53 =	vld [tilespmem:$0x38E0];
	v55 =	vmul.f32 $8.999999760e-01, v37;
	v45 =	vsel vm10, $0x3F800000, v0;
	v51 =	vadd.f32 v49, v6;
	[tilespmem:$0x5130] =	vst v7  }
0x15d: {  	v56 =	vsel vm1, $0x3F800000, v0;
	v57 =	vmul.f32 $8.999999760e-01, v42;
	v48 =	vadd.f32 v45, v10;
	[tilespmem:$0x5160] =	vst v40  }
0x15e: {  	v43 =	vsel vm9, $0x3F800000, v0;
	v52 =	vmul.f32 $8.999999760e-01, v32;
	v1 =	vadd.f32 v56, v55;
	[tilespmem:$0x5190] =	vst v51  }
0x15f: {  	vm14 =	veq.s32 v44, s7;
	v60 =	vmul.f32 $8.999999760e-01, v46;
	v59 =	vadd.f32 v58, v57;
	[tilespmem:$0x5180] =	vst v48  }
0x160: {  	v41 =	vmul.f32 $8.999999760e-01, v61;
	v61 =	vsel vm14, $0x3F800000, v0;
	v2 =	vadd.f32 v54, v52;
	[tilespmem:$0x51B0] =	vst v1  }
0x161: {  	vm15 =	veq.s32 v50, s7;
	v63 =	vadd.f32 v61, v60;
	v62 =	vmul.f32 $8.999999760e-01, v53;
	[tilespmem:$0x51C0] =	vst v59  }
0x162: {  	v0 =	vsel vm15, $0x3F800000, v0;
	v47 =	vadd.f32 v43, v41;
	[tilespmem:$0x51A0] =	vst v2  }
0x163: {  	[tilespmem:$0x51D0] =	vst v63;
	v0 =	vadd.f32 v0, v62  }
0x164: {  	[tilespmem:$0x5170] =	vst v47  }
0x165: {  	s2 =	sadd.s32 s2, s4;
	s31 =	simm.s32 $0x4DF0;
	[tilespmem:$0x51E0] =	vst v0  }
0x166: {  	[hbm4b:s2+s20] =	stream.linear.scatter [tilespmem:s31], [sflag:$0x4], $0x400, $0x38;
	[tilespmem:$0x51F0] =	vst v63  }
0x167: {  	_ =	swait.ge [sflag:s25], $0x400  }
0x168: {  	p0 =	sne.s32 s3, $0x0;
	[sflag:s25] =	ssyncset.done $0x0  }
0x169: {  	s2 =	simm.s32 @p0 $0x1;
	[sflag:s25] =	ssyncadd.s32 $0xFFFFFC00  }
0x16a: {  	_ =	swait.ge @p0 [sflag:s2], $0x1880  }
0x16b: {  	[sflag:s2] =	ssyncset.done @p0 $0x0  }
0x16c: {  	[sflag:s2] =	ssyncadd.s32 @p0 $0xFFFFE780  }
0x16d: {  	_ =	sfence.sel @p0 $0x180000  }
0x16e: {  	[bflag:$0x0] =	sbarrier.arrive @p0 $0xFFFF  }
0x16f: {  	_ =	strace @p0 $0x90000047  }
0x170: {  	v0 =	vmov s7;
	[bflag:$0x2] =	sbarrier.arrive @p0 $0xFFFF  }
0x171: {  	s3 =	simm.s32 @!p0 $0x3D70;
	s2 =	simm.s32 @!p0 $0x0;
	[tilespmem:$0x3D70] =	vst @!p0 v0  }
0x172: {  	[hbm4b:s1+s2] =	stream.linear.scatter @!p0 [tilespmem:s3], [sflag:$0x4], $0x1, $0x38;
	[tilespmem:$0x51F0] =	vst v63  }
0x173: {  	s1 =	simm.s32 @!p0 $0x4  }
0x174: {  	_ =	swait.ge @!p0 [sflag:s1], $0x1  }
0x175: {  	[sflag:s1] =	ssyncset.done @!p0 $0x0  }
0x176: {  	[sflag:s1] =	ssyncadd.s32 @!p0 $0xFFFFFFFF;
	s1 =	simm.s32 @!p0 $0x1  }
0x177: {  	_ =	swait.ge @!p0 [sflag:s1], $0x1880  }
0x178: {  	[sflag:s1] =	ssyncset.done @!p0 $0x0  }
0x179: {  	[sflag:s1] =	ssyncadd.s32 @!p0 $0xFFFFE780  }
0x17a: {  	_ =	sfence.sel @!p0 $0x180000  }
0x17b: {  	[bflag:$0x0] =	sbarrier.arrive @!p0 $0xFFFF  }
0x17c: {  	_ =	strace @!p0 $0x90000047  }
0x17d: {  	s0 =	sadd.s32 @!p0 $0x100000, s0;
	[bflag:$0x2] =	sbarrier.arrive @!p0 $0xFFFF  }
0x17e: {  	[sflag:s0] =	ssyncadd.tile.s32 @!p0 $0x1;
	_ =	shalt  }
.Lfunc_end2:
_tile_overlayer_lowered:
.L_overlay_start_2:
0x17f: {  	(tag) =	ssettag $0x2  }
0x180: {  	s0 =	rddreg [dreg:$0x0];
	s2 =	stileid.u32  }
0x181: {  	s1 =	rddreg [dreg:$0x1];
	p0 =	sne.s32 s2, $0x0  }
0x182: {  	s3 =	rddreg [dreg:$0x2];
	[bflag:$0x3] =	sbarrier.arrive $0xFFFF;
	s2 =	simm.s32 @!p0 $0x1C04  }
0x183: {  	[timem:s3], [sflag:s2] =	dma.local @!p0 [hbm:s0], s1  }
0x184: {  	s0 =	simm.s32 @!p0 $0x4  }
0x185: {  	_ =	swait.ge @!p0 [sflag:s0], s1  }
0x186: {  	s1 =	ssub.s32 @!p0 $0x0, s1;
	[sflag:s0] =	ssyncset.done @!p0 $0x0  }
0x187: {  	[sflag:s0] =	ssyncadd.s32 @!p0 s1  }
0x188: {  	[bflag:$0x3] =	sbarrier.arrive $0xFFFF  }
0x189: {  	_ =	shalt  }

</sc_bundles>
